<compile_context>
chip_gen: v7x
topology: tpu7x:2x2x1
jax: 0.10.2.dev20260603
libtpu: 0.0.44.dev20260713+nightly
codegen_flags: <defaults>
</compile_context>

<pallas_src>
import jax
import jax.numpy as jnp
from jax import lax
from jax.experimental import pallas as pl
from jax.experimental.pallas import tpu as pltpu
from jax.experimental.pallas import tpu_sc as plsc

N = 1024
T = 3
E = 32768
M = N * N
NS = 16
EPW = E // NS
SLICE = M // NS
ROWS = EPW // 128
ZW = 8192
BM = 128


def _sc_scatter_body(atidx_hbm, cntidx_hbm, vals_hbm, zeros_hbm, ones_hbm,
                     at_hbm, cnt_hbm, acc, idx_v, val_v, zer_v):
    c = lax.axis_index("c")
    s = lax.axis_index("s")
    base = s * EPW
    pltpu.sync_copy(zeros_hbm, zer_v)

    @pl.when(c == 1)
    def _():
        pltpu.sync_copy(ones_hbm, val_v)

    for z in range(SLICE // ZW):
        pltpu.sync_copy(zer_v, acc.at[pl.ds(s * SLICE + z * ZW, ZW)])
    plsc.subcore_barrier()

    for t in range(T):
        @pl.when(c == 0)
        def _():
            pltpu.sync_copy(atidx_hbm.at[pl.ds(t * E + base, EPW)], idx_v)
            pltpu.sync_copy(vals_hbm.at[pl.ds(t * E + base, EPW)], val_v)

        @pl.when(c == 1)
        def _():
            pltpu.sync_copy(cntidx_hbm.at[pl.ds(t * E + base, EPW)], idx_v)

        pltpu.sync_copy(val_v, acc.at[idx_v], add=True)
        plsc.subcore_barrier()

        @pl.when(c == 0)
        def _():
            pltpu.sync_copy(acc.at[pl.ds(s * SLICE, SLICE)],
                            at_hbm.at[pl.ds(t * M + s * SLICE, SLICE)])

        @pl.when(c == 1)
        def _():
            pltpu.sync_copy(acc.at[pl.ds(s * SLICE, SLICE)],
                            cnt_hbm.at[pl.ds(t * M + s * SLICE, SLICE)])

        if t < T - 1:
            plsc.subcore_barrier()
            pltpu.sync_copy(zer_v.at[pl.ds(0, EPW)], acc.at[idx_v])
            plsc.subcore_barrier()


def _sc_scatter(at_idx, cnt_idx, vals, zeros, ones, interpret=False):
    mesh = plsc.VectorSubcoreMesh(core_axis_name="c", subcore_axis_name="s",
                                  num_cores=2, num_subcores=NS)
    f = pl.kernel(
        _sc_scatter_body,
        out_type=(jax.ShapeDtypeStruct((T * M,), jnp.float32),
                  jax.ShapeDtypeStruct((T * M,), jnp.float32)),
        mesh=mesh,
        scratch_types=[
            pltpu.VMEM_SHARED((M,), jnp.float32),
            pltpu.VMEM((EPW,), jnp.int32),
            pltpu.VMEM((EPW,), jnp.float32),
            pltpu.VMEM((ZW,), jnp.float32),
        ],
        interpret=interpret,
    )
    return f(at_idx, cnt_idx, vals, zeros, ones)


_PREC = lax.Precision.HIGHEST


def _encode_body(feats_ref, noise_ref, at_ref, wp_ref, bp_ref, wxh_ref,
                 wxn_ref, bx_ref, wm_ref, bm_ref, hn_ref):
    h = jnp.maximum(
        jnp.dot(feats_ref[0], wp_ref[...], preferred_element_type=jnp.float32)
        + bp_ref[...], 0.0)
    hx = jnp.dot(h, wxh_ref[...], preferred_element_type=jnp.float32)
    hx = hx + jnp.dot(noise_ref[0], wxn_ref[...],
                      preferred_element_type=jnp.float32)
    hx = jnp.maximum(hx + bx_ref[...], 0.0)
    agg = jnp.dot(at_ref[...].reshape(N, N), hx,
                  preferred_element_type=jnp.float32, precision=_PREC)
    hn = jnp.maximum(
        jnp.dot(agg, wm_ref[...], preferred_element_type=jnp.float32)
        + bm_ref[...], 0.0) + hx
    hn_ref[0] = hn


def _encode(feats3, noise, at3, W_proj, b_proj, W_xh, W_xn, b_x, W_m, b_m,
            interpret=False):
    return pl.pallas_call(
        _encode_body,
        grid=(T,),
        in_specs=[
            pl.BlockSpec((1, N, 128), lambda t: (t, 0, 0)),
            pl.BlockSpec((1, N, 16), lambda t: (t, 0, 0)),
            pl.BlockSpec((M,), lambda t: (t,)),
            pl.BlockSpec((128, 64), lambda t: (0, 0)),
            pl.BlockSpec((1, 64), lambda t: (0, 0)),
            pl.BlockSpec((64, 64), lambda t: (0, 0)),
            pl.BlockSpec((16, 64), lambda t: (0, 0)),
            pl.BlockSpec((1, 64), lambda t: (0, 0)),
            pl.BlockSpec((64, 64), lambda t: (0, 0)),
            pl.BlockSpec((1, 64), lambda t: (0, 0)),
        ],
        out_specs=pl.BlockSpec((1, N, 64), lambda t: (t, 0, 0)),
        out_shape=jax.ShapeDtypeStruct((T, N, 64), jnp.float32),
        interpret=interpret,
    )(feats3, noise, at3, W_proj, b_proj, W_xh, W_xn, b_x, W_m, b_m)


def _combine_body(params_ref, hn_ref, cnt0_ref, cnt1_ref, cnt2_ref, we_ref,
                  y_ref):
    i = pl.program_id(0)
    c1 = params_ref[0]
    c2 = params_ref[1]
    c3 = params_ref[2]
    k0 = params_ref[3]
    k1 = params_ref[4]
    k2 = params_ref[5]
    be = params_ref[6]
    w = we_ref[...]
    d = []
    for t, cnt_ref in enumerate((cnt0_ref, cnt1_ref, cnt2_ref)):
        hr = hn_ref[t, pl.ds(i * BM, BM), :]
        g = lax.dot_general(hr * w, hn_ref[t], (((1,), (1,)), ((), ())),
                            preferred_element_type=jnp.float32,
                            precision=_PREC)
        dt_ = cnt_ref[...].reshape(BM, N) * (g + be)
        d.append(dt_.astype(jnp.bfloat16).astype(jnp.float32))

    def silu(v):
        return v * jax.nn.sigmoid(v)

    xc0 = silu(c3 * d[0])
    xc1 = silu(c2 * d[0] + c3 * d[1])
    xc2 = silu(c1 * d[0] + c2 * d[1] + c3 * d[2])
    y_ref[...] = k0 * xc0 + k1 * xc1 + k2 * xc2


def _combine(params, hn, cnt_flat, w_edge2, interpret=False):
    nb = M // (BM * N)
    return pl.pallas_call(
        _combine_body,
        grid=(N // BM,),
        in_specs=[
            pl.BlockSpec(memory_space=pltpu.SMEM),
            pl.BlockSpec((T, N, 64), lambda i: (0, 0, 0)),
            pl.BlockSpec((BM * N,), lambda i: (0 * nb + i,)),
            pl.BlockSpec((BM * N,), lambda i: (1 * nb + i,)),
            pl.BlockSpec((BM * N,), lambda i: (2 * nb + i,)),
            pl.BlockSpec((1, 64), lambda i: (0, 0)),
        ],
        out_specs=pl.BlockSpec((BM, N), lambda i: (i, 0)),
        out_shape=jax.ShapeDtypeStruct((N, N), jnp.float32),
        interpret=interpret,
    )(params, hn, cnt_flat, cnt_flat, cnt_flat, w_edge2)


def kernel(feats, noise, sup_values, sup_indices, W_proj, b_proj, W_x, b_x,
           W_m, b_m, w_edge, b_edge, conv_w, A_log, dt, B_w, C_w, D_w):
    idx = sup_indices.astype(jnp.int32)
    src, dst = idx[:, 0, :], idx[:, 1, :]
    at_idx = (dst * N + src).reshape(T * E)
    cnt_idx = (src * N + dst).reshape(T * E)
    zeros = jnp.zeros((ZW,), jnp.float32)
    ones = jnp.ones((EPW,), jnp.float32)
    at_flat, cnt_flat = _sc_scatter(at_idx, cnt_idx,
                                    sup_values.reshape(T * E), zeros, ones)

    hn = _encode(feats[:T], noise, at_flat,
                 W_proj, b_proj.reshape(1, 64),
                 W_x[:64], W_x[64:], b_x.reshape(1, 64),
                 W_m, b_m.reshape(1, 64))

    dA = jnp.exp(-jnp.exp(A_log) * dt)

    def trunc(v):
        return v.astype(jnp.bfloat16).astype(jnp.float32)

    bc = dt * jnp.dot(trunc(B_w), trunc(C_w))
    cw = trunc(conv_w)
    params = jnp.stack([cw[1], cw[2], cw[3],
                        bc * dA * dA, bc * dA, bc + D_w,
                        b_edge, jnp.float32(0.0)]).astype(jnp.float32)
    y = _combine(params, hn, cnt_flat, trunc(w_edge).reshape(1, 64))
    return (y,)

# --- scband reference (transcript-rebuilt; emitter-appended) ---
"""Pipeline reference for scband-salt-68942815035605 (READ-ONLY COPY).

The authoritative reference and input builder live on the scoring server;
editing this copy changes nothing except your own understanding.
"""

import jax, jax.numpy as jnp
import numpy as np

N = 1024
T = 3
E = 32768
D_FEAT = 128
D_PROJ = 64
NOISE_D = 16
D_IN = D_PROJ + NOISE_D
D_HID = 64
D_STATE = 16
D_CONV = 4
PRED_SIZE = 1


def setup_inputs(seed: int = 0) -> dict:
    key = jax.random.key(seed)
    ks = jax.random.split(key, 12)
    feats = jax.random.normal(ks[0], (T + 1, N, D_FEAT), dtype=jnp.float32)
    noise = jax.random.normal(ks[1], (T, N, NOISE_D), dtype=jnp.float32)
    sup_indices = jax.random.randint(ks[2], (T, 2, E), 0, N, dtype=jnp.int64 if jax.config.jax_enable_x64 else jnp.int32)
    sup_values = jax.random.uniform(ks[3], (T, E), dtype=jnp.float32)
    W_proj = jax.random.normal(ks[4], (D_FEAT, D_PROJ), dtype=jnp.float32) * 0.05
    b_proj = jnp.zeros((D_PROJ,), dtype=jnp.float32)
    W_x = jax.random.normal(ks[5], (D_IN, D_HID), dtype=jnp.float32) * 0.05
    b_x = jnp.zeros((D_HID,), dtype=jnp.float32)
    W_m = jax.random.normal(ks[6], (D_HID, D_HID), dtype=jnp.float32) * 0.05
    b_m = jnp.zeros((D_HID,), dtype=jnp.float32)
    w_edge = jax.random.normal(ks[7], (D_HID,), dtype=jnp.float32) * 0.05
    b_edge = jnp.zeros((), dtype=jnp.float32)
    conv_w = jax.random.normal(ks[8], (D_CONV,), dtype=jnp.float32) * 0.1
    A_log = jnp.zeros((), dtype=jnp.float32)
    dt = jnp.float32(0.1)
    B_w = jax.random.normal(ks[9], (D_STATE,), dtype=jnp.float32) * 0.1
    C_w = jax.random.normal(ks[10], (D_STATE,), dtype=jnp.float32) * 0.1
    D_w = jnp.float32(1.0)
    return {"feats": feats, "noise": noise, "sup_values": sup_values, "sup_indices": sup_indices,
            "W_proj": W_proj, "b_proj": b_proj, "W_x": W_x, "b_x": b_x, "W_m": W_m, "b_m": b_m,
            "w_edge": w_edge, "b_edge": b_edge, "conv_w": conv_w, "A_log": A_log, "dt": dt,
            "B_w": B_w, "C_w": C_w, "D_w": D_w}


def reference(feats, noise, sup_values, sup_indices, W_proj, b_proj, W_x, b_x, W_m, b_m,
              w_edge, b_edge, conv_w, A_log, dt, B_w, C_w, D_w):
    # feature projection (single linear layer: feat_proj_dims = [128, 64]) applied to all T+1 frames
    h = jax.nn.relu(jnp.einsum('tnf,fd->tnd', feats, W_proj) + b_proj)  # [T+1, N, 64]
    M = N * N
    ssm_state = jnp.zeros((M, D_STATE), dtype=jnp.float32)
    conv_state = jnp.zeros((M, D_CONV), dtype=jnp.float32)
    outs = []
    dA = jnp.exp(-jnp.exp(A_log) * dt)
    for t in range(T):
        x = jnp.concatenate([h[t], noise[t]], axis=1)  # [N, 80]
        src = sup_indices[t, 0]
        dst = sup_indices[t, 1]
        vals = sup_values[t]
        # WeightedLinkEncoder: node MLP + weighted neighbor aggregation + per-edge score
        hx = jax.nn.relu(x @ W_x + b_x)                     # [N, 64]
        msgs = jnp.take(hx, src, axis=0) * vals[:, None]     # gather + weight
        agg = jnp.zeros((N, D_HID), dtype=jnp.float32).at[dst].add(msgs)  # scatter-add
        hn = jax.nn.relu(agg @ W_m + b_m) + hx
        escore = (jnp.take(hn, src, axis=0) * jnp.take(hn, dst, axis=0)) @ w_edge + b_edge  # [E]
        # SparseTensor(row, col, value).to_dense() -> dense N x N, then reshape (N*N, 1)
        dense = jnp.zeros((N, N), dtype=jnp.float32).at[src, dst].add(escore)
        xs = dense.reshape(M)
        # TLSSM single step: depthwise causal conv state + diagonal SSM recurrence
        conv_state = jnp.concatenate([conv_state[:, 1:], xs[:, None]], axis=1)
        xc = jax.nn.silu(conv_state @ conv_w)                # [M]
        ssm_state = ssm_state * dA + xc[:, None] * (B_w[None, :] * dt)
        y = ssm_state @ C_w + D_w * xc                       # [M]
        outs.append(y.reshape(N, N))
    return tuple(outs[-PRED_SIZE:])

if __name__ == "__main__":
    import jax
    _d = setup_inputs()
    print(jax.jit(kernel)(*tuple(_d.values())))

</pallas_src>

<mosaic_0001>
#map = affine_map<(d0, d1) -> (0)>
module attributes {stable_mosaic.version = 14 : i64} {
  func.func @_sc_scatter_body(%arg0: i32, %arg1: i32, %arg2: memref<98304xi32, #tpu.memory_space<hbm>>, %arg3: memref<98304xi32, #tpu.memory_space<hbm>>, %arg4: memref<98304xf32, #tpu.memory_space<hbm>>, %arg5: memref<8192xf32, #tpu.memory_space<hbm>>, %arg6: memref<2048xf32, #tpu.memory_space<hbm>>, %arg7: memref<3145728xf32, #tpu.memory_space<hbm>>, %arg8: memref<3145728xf32, #tpu.memory_space<hbm>>, %arg9: memref<1048576xf32, #tpu.memory_space<vmem_shared>>, %arg10: memref<2048xi32, #tpu.memory_space<vmem>>, %arg11: memref<2048xf32, #tpu.memory_space<vmem>>, %arg12: memref<8192xf32, #tpu.memory_space<vmem>>) attributes {dimension_semantics = [#tpu.dimension_semantics<core_parallel>, #tpu.dimension_semantics<subcore_parallel>], iteration_bounds = array<i64: 2, 16>, scalar_prefetch = 0 : i64, scratch_operands = 4 : i64, tpu.core_type = #tpu.core_type<sc_vector_subcore>, window_params = [{transform_indices = #map}, {transform_indices = #map}, {transform_indices = #map}, {transform_indices = #map}, {transform_indices = #map}, {transform_indices = #map}, {transform_indices = #map}]} {
    %mul3A = arith.constant 2048 : i32
    %mul3A_0 = arith.muli %arg1, %mul3A : i32
    "tpu.region"() ({
      %run_scoped3A = tpu.sem_alloc : memref<!tpu.dma_semaphore, #tpu.memory_space<semaphore_mem>>
      tpu.enqueue_dma source(%arg5 : memref<8192xf32, #tpu.memory_space<hbm>>) target(%arg12 : memref<8192xf32, #tpu.memory_space<vmem>>) target_semaphore(%run_scoped3A : memref<!tpu.dma_semaphore, #tpu.memory_space<semaphore_mem>>)
      tpu.wait_dma2 semaphore(%run_scoped3A : memref<!tpu.dma_semaphore, #tpu.memory_space<semaphore_mem>>) src(%arg5 : memref<8192xf32, #tpu.memory_space<hbm>>) dst(%arg12 : memref<8192xf32, #tpu.memory_space<vmem>>)
      tpu.yield
    }) : () -> ()
    %eq3A = arith.constant 1 : i32
    %eq3A_1 = arith.cmpi eq, %arg0, %eq3A : i32
    %convert_element_type3A = arith.extui %eq3A_1 : i1 to i32
    %cond3A = arith.constant 0 : i32
    %cond3A_2 = arith.cmpi ne, %convert_element_type3A, %cond3A : i32
    scf.if %cond3A_2 {
      "tpu.region"() ({
        %run_scoped3A = tpu.sem_alloc : memref<!tpu.dma_semaphore, #tpu.memory_space<semaphore_mem>>
        tpu.enqueue_dma source(%arg6 : memref<2048xf32, #tpu.memory_space<hbm>>) target(%arg11 : memref<2048xf32, #tpu.memory_space<vmem>>) target_semaphore(%run_scoped3A : memref<!tpu.dma_semaphore, #tpu.memory_space<semaphore_mem>>)
        tpu.wait_dma2 semaphore(%run_scoped3A : memref<!tpu.dma_semaphore, #tpu.memory_space<semaphore_mem>>) src(%arg6 : memref<2048xf32, #tpu.memory_space<hbm>>) dst(%arg11 : memref<2048xf32, #tpu.memory_space<vmem>>)
        tpu.yield
      }) : () -> ()
    } else {
    }
    %mul3A_3 = arith.constant 65536 : i32
    %mul3A_4 = arith.muli %arg1, %mul3A_3 : i32
    %add3A = arith.constant 0 : i32
    %add3A_5 = arith.addi %mul3A_4, %add3A : i32
    "tpu.region"() ({
      %run_scoped3A = tpu.sem_alloc : memref<!tpu.dma_semaphore, #tpu.memory_space<semaphore_mem>>
      %dma_start3A = tpu.memref_slice %arg9[%add3A_5] : memref<1048576xf32, #tpu.memory_space<vmem_shared>> -> memref<8192xf32, #tpu.memory_space<vmem_shared>>
      %dma_start3A_101 = tpu.memref_slice %arg9[%add3A_5] : memref<1048576xf32, #tpu.memory_space<vmem_shared>> -> memref<8192xf32, #tpu.memory_space<vmem_shared>>
      tpu.enqueue_dma source(%arg12 : memref<8192xf32, #tpu.memory_space<vmem>>) target(%dma_start3A_101 : memref<8192xf32, #tpu.memory_space<vmem_shared>>) target_semaphore(%run_scoped3A : memref<!tpu.dma_semaphore, #tpu.memory_space<semaphore_mem>>)
      %dma_wait3A = tpu.memref_slice %arg9[%add3A_5] : memref<1048576xf32, #tpu.memory_space<vmem_shared>> -> memref<8192xf32, #tpu.memory_space<vmem_shared>>
      %dma_wait3A_102 = tpu.memref_slice %arg9[%add3A_5] : memref<1048576xf32, #tpu.memory_space<vmem_shared>> -> memref<8192xf32, #tpu.memory_space<vmem_shared>>
      tpu.wait_dma2 semaphore(%run_scoped3A : memref<!tpu.dma_semaphore, #tpu.memory_space<semaphore_mem>>) src(%arg12 : memref<8192xf32, #tpu.memory_space<vmem>>) dst(%dma_wait3A_102 : memref<8192xf32, #tpu.memory_space<vmem_shared>>)
      tpu.yield
    }) : () -> ()
    %mul3A_6 = arith.constant 65536 : i32
    %mul3A_7 = arith.muli %arg1, %mul3A_6 : i32
    %add3A_8 = arith.constant 8192 : i32
    %add3A_9 = arith.addi %mul3A_7, %add3A_8 : i32
    "tpu.region"() ({
      %run_scoped3A = tpu.sem_alloc : memref<!tpu.dma_semaphore, #tpu.memory_space<semaphore_mem>>
      %dma_start3A = tpu.memref_slice %arg9[%add3A_9] : memref<1048576xf32, #tpu.memory_space<vmem_shared>> -> memref<8192xf32, #tpu.memory_space<vmem_shared>>
      %dma_start3A_101 = tpu.memref_slice %arg9[%add3A_9] : memref<1048576xf32, #tpu.memory_space<vmem_shared>> -> memref<8192xf32, #tpu.memory_space<vmem_shared>>
      tpu.enqueue_dma source(%arg12 : memref<8192xf32, #tpu.memory_space<vmem>>) target(%dma_start3A_101 : memref<8192xf32, #tpu.memory_space<vmem_shared>>) target_semaphore(%run_scoped3A : memref<!tpu.dma_semaphore, #tpu.memory_space<semaphore_mem>>)
      %dma_wait3A = tpu.memref_slice %arg9[%add3A_9] : memref<1048576xf32, #tpu.memory_space<vmem_shared>> -> memref<8192xf32, #tpu.memory_space<vmem_shared>>
      %dma_wait3A_102 = tpu.memref_slice %arg9[%add3A_9] : memref<1048576xf32, #tpu.memory_space<vmem_shared>> -> memref<8192xf32, #tpu.memory_space<vmem_shared>>
      tpu.wait_dma2 semaphore(%run_scoped3A : memref<!tpu.dma_semaphore, #tpu.memory_space<semaphore_mem>>) src(%arg12 : memref<8192xf32, #tpu.memory_space<vmem>>) dst(%dma_wait3A_102 : memref<8192xf32, #tpu.memory_space<vmem_shared>>)
      tpu.yield
    }) : () -> ()
    %mul3A_10 = arith.constant 65536 : i32
    %mul3A_11 = arith.muli %arg1, %mul3A_10 : i32
    %add3A_12 = arith.constant 16384 : i32
    %add3A_13 = arith.addi %mul3A_11, %add3A_12 : i32
    "tpu.region"() ({
      %run_scoped3A = tpu.sem_alloc : memref<!tpu.dma_semaphore, #tpu.memory_space<semaphore_mem>>
      %dma_start3A = tpu.memref_slice %arg9[%add3A_13] : memref<1048576xf32, #tpu.memory_space<vmem_shared>> -> memref<8192xf32, #tpu.memory_space<vmem_shared>>
      %dma_start3A_101 = tpu.memref_slice %arg9[%add3A_13] : memref<1048576xf32, #tpu.memory_space<vmem_shared>> -> memref<8192xf32, #tpu.memory_space<vmem_shared>>
      tpu.enqueue_dma source(%arg12 : memref<8192xf32, #tpu.memory_space<vmem>>) target(%dma_start3A_101 : memref<8192xf32, #tpu.memory_space<vmem_shared>>) target_semaphore(%run_scoped3A : memref<!tpu.dma_semaphore, #tpu.memory_space<semaphore_mem>>)
      %dma_wait3A = tpu.memref_slice %arg9[%add3A_13] : memref<1048576xf32, #tpu.memory_space<vmem_shared>> -> memref<8192xf32, #tpu.memory_space<vmem_shared>>
      %dma_wait3A_102 = tpu.memref_slice %arg9[%add3A_13] : memref<1048576xf32, #tpu.memory_space<vmem_shared>> -> memref<8192xf32, #tpu.memory_space<vmem_shared>>
      tpu.wait_dma2 semaphore(%run_scoped3A : memref<!tpu.dma_semaphore, #tpu.memory_space<semaphore_mem>>) src(%arg12 : memref<8192xf32, #tpu.memory_space<vmem>>) dst(%dma_wait3A_102 : memref<8192xf32, #tpu.memory_space<vmem_shared>>)
      tpu.yield
    }) : () -> ()
    %mul3A_14 = arith.constant 65536 : i32
    %mul3A_15 = arith.muli %arg1, %mul3A_14 : i32
    %add3A_16 = arith.constant 24576 : i32
    %add3A_17 = arith.addi %mul3A_15, %add3A_16 : i32
    "tpu.region"() ({
      %run_scoped3A = tpu.sem_alloc : memref<!tpu.dma_semaphore, #tpu.memory_space<semaphore_mem>>
      %dma_start3A = tpu.memref_slice %arg9[%add3A_17] : memref<1048576xf32, #tpu.memory_space<vmem_shared>> -> memref<8192xf32, #tpu.memory_space<vmem_shared>>
      %dma_start3A_101 = tpu.memref_slice %arg9[%add3A_17] : memref<1048576xf32, #tpu.memory_space<vmem_shared>> -> memref<8192xf32, #tpu.memory_space<vmem_shared>>
      tpu.enqueue_dma source(%arg12 : memref<8192xf32, #tpu.memory_space<vmem>>) target(%dma_start3A_101 : memref<8192xf32, #tpu.memory_space<vmem_shared>>) target_semaphore(%run_scoped3A : memref<!tpu.dma_semaphore, #tpu.memory_space<semaphore_mem>>)
      %dma_wait3A = tpu.memref_slice %arg9[%add3A_17] : memref<1048576xf32, #tpu.memory_space<vmem_shared>> -> memref<8192xf32, #tpu.memory_space<vmem_shared>>
      %dma_wait3A_102 = tpu.memref_slice %arg9[%add3A_17] : memref<1048576xf32, #tpu.memory_space<vmem_shared>> -> memref<8192xf32, #tpu.memory_space<vmem_shared>>
      tpu.wait_dma2 semaphore(%run_scoped3A : memref<!tpu.dma_semaphore, #tpu.memory_space<semaphore_mem>>) src(%arg12 : memref<8192xf32, #tpu.memory_space<vmem>>) dst(%dma_wait3A_102 : memref<8192xf32, #tpu.memory_space<vmem_shared>>)
      tpu.yield
    }) : () -> ()
    %mul3A_18 = arith.constant 65536 : i32
    %mul3A_19 = arith.muli %arg1, %mul3A_18 : i32
    %add3A_20 = arith.constant 32768 : i32
    %add3A_21 = arith.addi %mul3A_19, %add3A_20 : i32
    "tpu.region"() ({
      %run_scoped3A = tpu.sem_alloc : memref<!tpu.dma_semaphore, #tpu.memory_space<semaphore_mem>>
      %dma_start3A = tpu.memref_slice %arg9[%add3A_21] : memref<1048576xf32, #tpu.memory_space<vmem_shared>> -> memref<8192xf32, #tpu.memory_space<vmem_shared>>
      %dma_start3A_101 = tpu.memref_slice %arg9[%add3A_21] : memref<1048576xf32, #tpu.memory_space<vmem_shared>> -> memref<8192xf32, #tpu.memory_space<vmem_shared>>
      tpu.enqueue_dma source(%arg12 : memref<8192xf32, #tpu.memory_space<vmem>>) target(%dma_start3A_101 : memref<8192xf32, #tpu.memory_space<vmem_shared>>) target_semaphore(%run_scoped3A : memref<!tpu.dma_semaphore, #tpu.memory_space<semaphore_mem>>)
      %dma_wait3A = tpu.memref_slice %arg9[%add3A_21] : memref<1048576xf32, #tpu.memory_space<vmem_shared>> -> memref<8192xf32, #tpu.memory_space<vmem_shared>>
      %dma_wait3A_102 = tpu.memref_slice %arg9[%add3A_21] : memref<1048576xf32, #tpu.memory_space<vmem_shared>> -> memref<8192xf32, #tpu.memory_space<vmem_shared>>
      tpu.wait_dma2 semaphore(%run_scoped3A : memref<!tpu.dma_semaphore, #tpu.memory_space<semaphore_mem>>) src(%arg12 : memref<8192xf32, #tpu.memory_space<vmem>>) dst(%dma_wait3A_102 : memref<8192xf32, #tpu.memory_space<vmem_shared>>)
      tpu.yield
    }) : () -> ()
    %mul3A_22 = arith.constant 65536 : i32
    %mul3A_23 = arith.muli %arg1, %mul3A_22 : i32
    %add3A_24 = arith.constant 40960 : i32
    %add3A_25 = arith.addi %mul3A_23, %add3A_24 : i32
    "tpu.region"() ({
      %run_scoped3A = tpu.sem_alloc : memref<!tpu.dma_semaphore, #tpu.memory_space<semaphore_mem>>
      %dma_start3A = tpu.memref_slice %arg9[%add3A_25] : memref<1048576xf32, #tpu.memory_space<vmem_shared>> -> memref<8192xf32, #tpu.memory_space<vmem_shared>>
      %dma_start3A_101 = tpu.memref_slice %arg9[%add3A_25] : memref<1048576xf32, #tpu.memory_space<vmem_shared>> -> memref<8192xf32, #tpu.memory_space<vmem_shared>>
      tpu.enqueue_dma source(%arg12 : memref<8192xf32, #tpu.memory_space<vmem>>) target(%dma_start3A_101 : memref<8192xf32, #tpu.memory_space<vmem_shared>>) target_semaphore(%run_scoped3A : memref<!tpu.dma_semaphore, #tpu.memory_space<semaphore_mem>>)
      %dma_wait3A = tpu.memref_slice %arg9[%add3A_25] : memref<1048576xf32, #tpu.memory_space<vmem_shared>> -> memref<8192xf32, #tpu.memory_space<vmem_shared>>
      %dma_wait3A_102 = tpu.memref_slice %arg9[%add3A_25] : memref<1048576xf32, #tpu.memory_space<vmem_shared>> -> memref<8192xf32, #tpu.memory_space<vmem_shared>>
      tpu.wait_dma2 semaphore(%run_scoped3A : memref<!tpu.dma_semaphore, #tpu.memory_space<semaphore_mem>>) src(%arg12 : memref<8192xf32, #tpu.memory_space<vmem>>) dst(%dma_wait3A_102 : memref<8192xf32, #tpu.memory_space<vmem_shared>>)
      tpu.yield
    }) : () -> ()
    %mul3A_26 = arith.constant 65536 : i32
    %mul3A_27 = arith.muli %arg1, %mul3A_26 : i32
    %add3A_28 = arith.constant 49152 : i32
    %add3A_29 = arith.addi %mul3A_27, %add3A_28 : i32
    "tpu.region"() ({
      %run_scoped3A = tpu.sem_alloc : memref<!tpu.dma_semaphore, #tpu.memory_space<semaphore_mem>>
      %dma_start3A = tpu.memref_slice %arg9[%add3A_29] : memref<1048576xf32, #tpu.memory_space<vmem_shared>> -> memref<8192xf32, #tpu.memory_space<vmem_shared>>
      %dma_start3A_101 = tpu.memref_slice %arg9[%add3A_29] : memref<1048576xf32, #tpu.memory_space<vmem_shared>> -> memref<8192xf32, #tpu.memory_space<vmem_shared>>
      tpu.enqueue_dma source(%arg12 : memref<8192xf32, #tpu.memory_space<vmem>>) target(%dma_start3A_101 : memref<8192xf32, #tpu.memory_space<vmem_shared>>) target_semaphore(%run_scoped3A : memref<!tpu.dma_semaphore, #tpu.memory_space<semaphore_mem>>)
      %dma_wait3A = tpu.memref_slice %arg9[%add3A_29] : memref<1048576xf32, #tpu.memory_space<vmem_shared>> -> memref<8192xf32, #tpu.memory_space<vmem_shared>>
      %dma_wait3A_102 = tpu.memref_slice %arg9[%add3A_29] : memref<1048576xf32, #tpu.memory_space<vmem_shared>> -> memref<8192xf32, #tpu.memory_space<vmem_shared>>
      tpu.wait_dma2 semaphore(%run_scoped3A : memref<!tpu.dma_semaphore, #tpu.memory_space<semaphore_mem>>) src(%arg12 : memref<8192xf32, #tpu.memory_space<vmem>>) dst(%dma_wait3A_102 : memref<8192xf32, #tpu.memory_space<vmem_shared>>)
      tpu.yield
    }) : () -> ()
    %mul3A_30 = arith.constant 65536 : i32
    %mul3A_31 = arith.muli %arg1, %mul3A_30 : i32
    %add3A_32 = arith.constant 57344 : i32
    %add3A_33 = arith.addi %mul3A_31, %add3A_32 : i32
    "tpu.region"() ({
      %run_scoped3A = tpu.sem_alloc : memref<!tpu.dma_semaphore, #tpu.memory_space<semaphore_mem>>
      %dma_start3A = tpu.memref_slice %arg9[%add3A_33] : memref<1048576xf32, #tpu.memory_space<vmem_shared>> -> memref<8192xf32, #tpu.memory_space<vmem_shared>>
      %dma_start3A_101 = tpu.memref_slice %arg9[%add3A_33] : memref<1048576xf32, #tpu.memory_space<vmem_shared>> -> memref<8192xf32, #tpu.memory_space<vmem_shared>>
      tpu.enqueue_dma source(%arg12 : memref<8192xf32, #tpu.memory_space<vmem>>) target(%dma_start3A_101 : memref<8192xf32, #tpu.memory_space<vmem_shared>>) target_semaphore(%run_scoped3A : memref<!tpu.dma_semaphore, #tpu.memory_space<semaphore_mem>>)
      %dma_wait3A = tpu.memref_slice %arg9[%add3A_33] : memref<1048576xf32, #tpu.memory_space<vmem_shared>> -> memref<8192xf32, #tpu.memory_space<vmem_shared>>
      %dma_wait3A_102 = tpu.memref_slice %arg9[%add3A_33] : memref<1048576xf32, #tpu.memory_space<vmem_shared>> -> memref<8192xf32, #tpu.memory_space<vmem_shared>>
      tpu.wait_dma2 semaphore(%run_scoped3A : memref<!tpu.dma_semaphore, #tpu.memory_space<semaphore_mem>>) src(%arg12 : memref<8192xf32, #tpu.memory_space<vmem>>) dst(%dma_wait3A_102 : memref<8192xf32, #tpu.memory_space<vmem_shared>>)
      tpu.yield
    }) : () -> ()
    %barrier3A = arith.constant 0 : index
    tpu.barrier barrier_id(%barrier3A)
    %eq3A_34 = arith.constant 0 : i32
    %eq3A_35 = arith.cmpi eq, %arg0, %eq3A_34 : i32
    %convert_element_type3A_36 = arith.extui %eq3A_35 : i1 to i32
    %cond3A_37 = arith.constant 0 : i32
    %cond3A_38 = arith.cmpi ne, %convert_element_type3A_36, %cond3A_37 : i32
    scf.if %cond3A_38 {
      %add3A_101 = arith.constant 0 : i32
      %add3A_102 = arith.addi %add3A_101, %mul3A_0 : i32
      "tpu.region"() ({
        %run_scoped3A = tpu.sem_alloc : memref<!tpu.dma_semaphore, #tpu.memory_space<semaphore_mem>>
        %dma_start3A = tpu.memref_slice %arg2[%add3A_102] : memref<98304xi32, #tpu.memory_space<hbm>> -> memref<2048xi32, #tpu.memory_space<hbm>>
        %dma_start3A_105 = tpu.memref_slice %arg2[%add3A_102] : memref<98304xi32, #tpu.memory_space<hbm>> -> memref<2048xi32, #tpu.memory_space<hbm>>
        tpu.enqueue_dma source(%dma_start3A_105 : memref<2048xi32, #tpu.memory_space<hbm>>) target(%arg10 : memref<2048xi32, #tpu.memory_space<vmem>>) target_semaphore(%run_scoped3A : memref<!tpu.dma_semaphore, #tpu.memory_space<semaphore_mem>>)
        %dma_wait3A = tpu.memref_slice %arg2[%add3A_102] : memref<98304xi32, #tpu.memory_space<hbm>> -> memref<2048xi32, #tpu.memory_space<hbm>>
        %dma_wait3A_106 = tpu.memref_slice %arg2[%add3A_102] : memref<98304xi32, #tpu.memory_space<hbm>> -> memref<2048xi32, #tpu.memory_space<hbm>>
        tpu.wait_dma2 semaphore(%run_scoped3A : memref<!tpu.dma_semaphore, #tpu.memory_space<semaphore_mem>>) src(%dma_wait3A_106 : memref<2048xi32, #tpu.memory_space<hbm>>) dst(%arg10 : memref<2048xi32, #tpu.memory_space<vmem>>)
        tpu.yield
      }) : () -> ()
      %add3A_103 = arith.constant 0 : i32
      %add3A_104 = arith.addi %add3A_103, %mul3A_0 : i32
      "tpu.region"() ({
        %run_scoped3A = tpu.sem_alloc : memref<!tpu.dma_semaphore, #tpu.memory_space<semaphore_mem>>
        %dma_start3A = tpu.memref_slice %arg4[%add3A_104] : memref<98304xf32, #tpu.memory_space<hbm>> -> memref<2048xf32, #tpu.memory_space<hbm>>
        %dma_start3A_105 = tpu.memref_slice %arg4[%add3A_104] : memref<98304xf32, #tpu.memory_space<hbm>> -> memref<2048xf32, #tpu.memory_space<hbm>>
        tpu.enqueue_dma source(%dma_start3A_105 : memref<2048xf32, #tpu.memory_space<hbm>>) target(%arg11 : memref<2048xf32, #tpu.memory_space<vmem>>) target_semaphore(%run_scoped3A : memref<!tpu.dma_semaphore, #tpu.memory_space<semaphore_mem>>)
        %dma_wait3A = tpu.memref_slice %arg4[%add3A_104] : memref<98304xf32, #tpu.memory_space<hbm>> -> memref<2048xf32, #tpu.memory_space<hbm>>
        %dma_wait3A_106 = tpu.memref_slice %arg4[%add3A_104] : memref<98304xf32, #tpu.memory_space<hbm>> -> memref<2048xf32, #tpu.memory_space<hbm>>
        tpu.wait_dma2 semaphore(%run_scoped3A : memref<!tpu.dma_semaphore, #tpu.memory_space<semaphore_mem>>) src(%dma_wait3A_106 : memref<2048xf32, #tpu.memory_space<hbm>>) dst(%arg11 : memref<2048xf32, #tpu.memory_space<vmem>>)
        tpu.yield
      }) : () -> ()
    } else {
    }
    %eq3A_39 = arith.constant 1 : i32
    %eq3A_40 = arith.cmpi eq, %arg0, %eq3A_39 : i32
    %convert_element_type3A_41 = arith.extui %eq3A_40 : i1 to i32
    %cond3A_42 = arith.constant 0 : i32
    %cond3A_43 = arith.cmpi ne, %convert_element_type3A_41, %cond3A_42 : i32
    scf.if %cond3A_43 {
      %add3A_101 = arith.constant 0 : i32
      %add3A_102 = arith.addi %add3A_101, %mul3A_0 : i32
      "tpu.region"() ({
        %run_scoped3A = tpu.sem_alloc : memref<!tpu.dma_semaphore, #tpu.memory_space<semaphore_mem>>
        %dma_start3A = tpu.memref_slice %arg3[%add3A_102] : memref<98304xi32, #tpu.memory_space<hbm>> -> memref<2048xi32, #tpu.memory_space<hbm>>
        %dma_start3A_103 = tpu.memref_slice %arg3[%add3A_102] : memref<98304xi32, #tpu.memory_space<hbm>> -> memref<2048xi32, #tpu.memory_space<hbm>>
        tpu.enqueue_dma source(%dma_start3A_103 : memref<2048xi32, #tpu.memory_space<hbm>>) target(%arg10 : memref<2048xi32, #tpu.memory_space<vmem>>) target_semaphore(%run_scoped3A : memref<!tpu.dma_semaphore, #tpu.memory_space<semaphore_mem>>)
        %dma_wait3A = tpu.memref_slice %arg3[%add3A_102] : memref<98304xi32, #tpu.memory_space<hbm>> -> memref<2048xi32, #tpu.memory_space<hbm>>
        %dma_wait3A_104 = tpu.memref_slice %arg3[%add3A_102] : memref<98304xi32, #tpu.memory_space<hbm>> -> memref<2048xi32, #tpu.memory_space<hbm>>
        tpu.wait_dma2 semaphore(%run_scoped3A : memref<!tpu.dma_semaphore, #tpu.memory_space<semaphore_mem>>) src(%dma_wait3A_104 : memref<2048xi32, #tpu.memory_space<hbm>>) dst(%arg10 : memref<2048xi32, #tpu.memory_space<vmem>>)
        tpu.yield
      }) : () -> ()
    } else {
    }
    "tpu.region"() ({
      %run_scoped3A = tpu.sem_alloc : memref<!tpu.dma_semaphore, #tpu.memory_space<semaphore_mem>>
      %dma_start3A = arith.constant 0 : i32
      %dma_start3A_101 = tpu.memref_slice %arg9[%dma_start3A] : memref<1048576xf32, #tpu.memory_space<vmem_shared>> -> memref<1048576xf32, #tpu.memory_space<vmem_shared>>
      tpu.enqueue_indirect_dma source(%arg11 : memref<2048xf32, #tpu.memory_space<vmem>>) target(%dma_start3A_101 : memref<1048576xf32, #tpu.memory_space<vmem_shared>>) offsets(%arg10 : memref<2048xi32, #tpu.memory_space<vmem>>) semaphore(%run_scoped3A : memref<!tpu.dma_semaphore, #tpu.memory_space<semaphore_mem>>) {add = true}
      %dma_wait3A = arith.constant 0 : i32
      %dma_wait3A_102 = tpu.memref_slice %arg9[%dma_wait3A] : memref<1048576xf32, #tpu.memory_space<vmem_shared>> -> memref<1048576xf32, #tpu.memory_space<vmem_shared>>
      tpu.wait_indirect_dma semaphore(%run_scoped3A : memref<!tpu.dma_semaphore, #tpu.memory_space<semaphore_mem>>) src(%arg11 : memref<2048xf32, #tpu.memory_space<vmem>>) dst(%dma_wait3A_102 : memref<1048576xf32, #tpu.memory_space<vmem_shared>>)
      tpu.yield
    }) : () -> ()
    %barrier3A_44 = arith.constant 0 : index
    tpu.barrier barrier_id(%barrier3A_44)
    %eq3A_45 = arith.constant 0 : i32
    %eq3A_46 = arith.cmpi eq, %arg0, %eq3A_45 : i32
    %convert_element_type3A_47 = arith.extui %eq3A_46 : i1 to i32
    %cond3A_48 = arith.constant 0 : i32
    %cond3A_49 = arith.cmpi ne, %convert_element_type3A_47, %cond3A_48 : i32
    scf.if %cond3A_49 {
      %mul3A_101 = arith.constant 65536 : i32
      %mul3A_102 = arith.muli %arg1, %mul3A_101 : i32
      %mul3A_103 = arith.constant 65536 : i32
      %mul3A_104 = arith.muli %arg1, %mul3A_103 : i32
      %add3A_105 = arith.constant 0 : i32
      %add3A_106 = arith.addi %add3A_105, %mul3A_104 : i32
      "tpu.region"() ({
        %run_scoped3A = tpu.sem_alloc : memref<!tpu.dma_semaphore, #tpu.memory_space<semaphore_mem>>
        %dma_start3A = tpu.memref_slice %arg7[%add3A_106] : memref<3145728xf32, #tpu.memory_space<hbm>> -> memref<65536xf32, #tpu.memory_space<hbm>>
        %dma_start3A_107 = tpu.memref_slice %arg9[%mul3A_102] : memref<1048576xf32, #tpu.memory_space<vmem_shared>> -> memref<65536xf32, #tpu.memory_space<vmem_shared>>
        tpu.enqueue_dma source(%dma_start3A_107 : memref<65536xf32, #tpu.memory_space<vmem_shared>>) target(%dma_start3A : memref<65536xf32, #tpu.memory_space<hbm>>) target_semaphore(%run_scoped3A : memref<!tpu.dma_semaphore, #tpu.memory_space<semaphore_mem>>)
        %dma_wait3A = tpu.memref_slice %arg7[%add3A_106] : memref<3145728xf32, #tpu.memory_space<hbm>> -> memref<65536xf32, #tpu.memory_space<hbm>>
        %dma_wait3A_108 = tpu.memref_slice %arg9[%mul3A_102] : memref<1048576xf32, #tpu.memory_space<vmem_shared>> -> memref<65536xf32, #tpu.memory_space<vmem_shared>>
        tpu.wait_dma2 semaphore(%run_scoped3A : memref<!tpu.dma_semaphore, #tpu.memory_space<semaphore_mem>>) src(%dma_wait3A_108 : memref<65536xf32, #tpu.memory_space<vmem_shared>>) dst(%dma_wait3A : memref<65536xf32, #tpu.memory_space<hbm>>)
        tpu.yield
      }) : () -> ()
    } else {
    }
    %eq3A_50 = arith.constant 1 : i32
    %eq3A_51 = arith.cmpi eq, %arg0, %eq3A_50 : i32
    %convert_element_type3A_52 = arith.extui %eq3A_51 : i1 to i32
    %cond3A_53 = arith.constant 0 : i32
    %cond3A_54 = arith.cmpi ne, %convert_element_type3A_52, %cond3A_53 : i32
    scf.if %cond3A_54 {
      %mul3A_101 = arith.constant 65536 : i32
      %mul3A_102 = arith.muli %arg1, %mul3A_101 : i32
      %mul3A_103 = arith.constant 65536 : i32
      %mul3A_104 = arith.muli %arg1, %mul3A_103 : i32
      %add3A_105 = arith.constant 0 : i32
      %add3A_106 = arith.addi %add3A_105, %mul3A_104 : i32
      "tpu.region"() ({
        %run_scoped3A = tpu.sem_alloc : memref<!tpu.dma_semaphore, #tpu.memory_space<semaphore_mem>>
        %dma_start3A = tpu.memref_slice %arg8[%add3A_106] : memref<3145728xf32, #tpu.memory_space<hbm>> -> memref<65536xf32, #tpu.memory_space<hbm>>
        %dma_start3A_107 = tpu.memref_slice %arg9[%mul3A_102] : memref<1048576xf32, #tpu.memory_space<vmem_shared>> -> memref<65536xf32, #tpu.memory_space<vmem_shared>>
        tpu.enqueue_dma source(%dma_start3A_107 : memref<65536xf32, #tpu.memory_space<vmem_shared>>) target(%dma_start3A : memref<65536xf32, #tpu.memory_space<hbm>>) target_semaphore(%run_scoped3A : memref<!tpu.dma_semaphore, #tpu.memory_space<semaphore_mem>>)
        %dma_wait3A = tpu.memref_slice %arg8[%add3A_106] : memref<3145728xf32, #tpu.memory_space<hbm>> -> memref<65536xf32, #tpu.memory_space<hbm>>
        %dma_wait3A_108 = tpu.memref_slice %arg9[%mul3A_102] : memref<1048576xf32, #tpu.memory_space<vmem_shared>> -> memref<65536xf32, #tpu.memory_space<vmem_shared>>
        tpu.wait_dma2 semaphore(%run_scoped3A : memref<!tpu.dma_semaphore, #tpu.memory_space<semaphore_mem>>) src(%dma_wait3A_108 : memref<65536xf32, #tpu.memory_space<vmem_shared>>) dst(%dma_wait3A : memref<65536xf32, #tpu.memory_space<hbm>>)
        tpu.yield
      }) : () -> ()
    } else {
    }
    %barrier3A_55 = arith.constant 0 : index
    tpu.barrier barrier_id(%barrier3A_55)
    "tpu.region"() ({
      %run_scoped3A = tpu.sem_alloc : memref<!tpu.dma_semaphore, #tpu.memory_space<semaphore_mem>>
      %dma_start3A = arith.constant 0 : i32
      %dma_start3A_101 = tpu.memref_slice %arg12[%dma_start3A] : memref<8192xf32, #tpu.memory_space<vmem>> -> memref<2048xf32, #tpu.memory_space<vmem>>
      %dma_start3A_102 = arith.constant 0 : i32
      %dma_start3A_103 = tpu.memref_slice %arg9[%dma_start3A_102] : memref<1048576xf32, #tpu.memory_space<vmem_shared>> -> memref<1048576xf32, #tpu.memory_space<vmem_shared>>
      tpu.enqueue_indirect_dma source(%dma_start3A_101 : memref<2048xf32, #tpu.memory_space<vmem>>) target(%dma_start3A_103 : memref<1048576xf32, #tpu.memory_space<vmem_shared>>) offsets(%arg10 : memref<2048xi32, #tpu.memory_space<vmem>>) semaphore(%run_scoped3A : memref<!tpu.dma_semaphore, #tpu.memory_space<semaphore_mem>>)
      %dma_wait3A = arith.constant 0 : i32
      %dma_wait3A_104 = tpu.memref_slice %arg12[%dma_wait3A] : memref<8192xf32, #tpu.memory_space<vmem>> -> memref<2048xf32, #tpu.memory_space<vmem>>
      %dma_wait3A_105 = arith.constant 0 : i32
      %dma_wait3A_106 = tpu.memref_slice %arg9[%dma_wait3A_105] : memref<1048576xf32, #tpu.memory_space<vmem_shared>> -> memref<1048576xf32, #tpu.memory_space<vmem_shared>>
      tpu.wait_indirect_dma semaphore(%run_scoped3A : memref<!tpu.dma_semaphore, #tpu.memory_space<semaphore_mem>>) src(%dma_wait3A_104 : memref<2048xf32, #tpu.memory_space<vmem>>) dst(%dma_wait3A_106 : memref<1048576xf32, #tpu.memory_space<vmem_shared>>)
      tpu.yield
    }) : () -> ()
    %barrier3A_56 = arith.constant 0 : index
    tpu.barrier barrier_id(%barrier3A_56)
    %eq3A_57 = arith.constant 0 : i32
    %eq3A_58 = arith.cmpi eq, %arg0, %eq3A_57 : i32
    %convert_element_type3A_59 = arith.extui %eq3A_58 : i1 to i32
    %cond3A_60 = arith.constant 0 : i32
    %cond3A_61 = arith.cmpi ne, %convert_element_type3A_59, %cond3A_60 : i32
    scf.if %cond3A_61 {
      %add3A_101 = arith.constant 32768 : i32
      %add3A_102 = arith.addi %add3A_101, %mul3A_0 : i32
      "tpu.region"() ({
        %run_scoped3A = tpu.sem_alloc : memref<!tpu.dma_semaphore, #tpu.memory_space<semaphore_mem>>
        %dma_start3A = tpu.memref_slice %arg2[%add3A_102] : memref<98304xi32, #tpu.memory_space<hbm>> -> memref<2048xi32, #tpu.memory_space<hbm>>
        %dma_start3A_105 = tpu.memref_slice %arg2[%add3A_102] : memref<98304xi32, #tpu.memory_space<hbm>> -> memref<2048xi32, #tpu.memory_space<hbm>>
        tpu.enqueue_dma source(%dma_start3A_105 : memref<2048xi32, #tpu.memory_space<hbm>>) target(%arg10 : memref<2048xi32, #tpu.memory_space<vmem>>) target_semaphore(%run_scoped3A : memref<!tpu.dma_semaphore, #tpu.memory_space<semaphore_mem>>)
        %dma_wait3A = tpu.memref_slice %arg2[%add3A_102] : memref<98304xi32, #tpu.memory_space<hbm>> -> memref<2048xi32, #tpu.memory_space<hbm>>
        %dma_wait3A_106 = tpu.memref_slice %arg2[%add3A_102] : memref<98304xi32, #tpu.memory_space<hbm>> -> memref<2048xi32, #tpu.memory_space<hbm>>
        tpu.wait_dma2 semaphore(%run_scoped3A : memref<!tpu.dma_semaphore, #tpu.memory_space<semaphore_mem>>) src(%dma_wait3A_106 : memref<2048xi32, #tpu.memory_space<hbm>>) dst(%arg10 : memref<2048xi32, #tpu.memory_space<vmem>>)
        tpu.yield
      }) : () -> ()
      %add3A_103 = arith.constant 32768 : i32
      %add3A_104 = arith.addi %add3A_103, %mul3A_0 : i32
      "tpu.region"() ({
        %run_scoped3A = tpu.sem_alloc : memref<!tpu.dma_semaphore, #tpu.memory_space<semaphore_mem>>
        %dma_start3A = tpu.memref_slice %arg4[%add3A_104] : memref<98304xf32, #tpu.memory_space<hbm>> -> memref<2048xf32, #tpu.memory_space<hbm>>
        %dma_start3A_105 = tpu.memref_slice %arg4[%add3A_104] : memref<98304xf32, #tpu.memory_space<hbm>> -> memref<2048xf32, #tpu.memory_space<hbm>>
        tpu.enqueue_dma source(%dma_start3A_105 : memref<2048xf32, #tpu.memory_space<hbm>>) target(%arg11 : memref<2048xf32, #tpu.memory_space<vmem>>) target_semaphore(%run_scoped3A : memref<!tpu.dma_semaphore, #tpu.memory_space<semaphore_mem>>)
        %dma_wait3A = tpu.memref_slice %arg4[%add3A_104] : memref<98304xf32, #tpu.memory_space<hbm>> -> memref<2048xf32, #tpu.memory_space<hbm>>
        %dma_wait3A_106 = tpu.memref_slice %arg4[%add3A_104] : memref<98304xf32, #tpu.memory_space<hbm>> -> memref<2048xf32, #tpu.memory_space<hbm>>
        tpu.wait_dma2 semaphore(%run_scoped3A : memref<!tpu.dma_semaphore, #tpu.memory_space<semaphore_mem>>) src(%dma_wait3A_106 : memref<2048xf32, #tpu.memory_space<hbm>>) dst(%arg11 : memref<2048xf32, #tpu.memory_space<vmem>>)
        tpu.yield
      }) : () -> ()
    } else {
    }
    %eq3A_62 = arith.constant 1 : i32
    %eq3A_63 = arith.cmpi eq, %arg0, %eq3A_62 : i32
    %convert_element_type3A_64 = arith.extui %eq3A_63 : i1 to i32
    %cond3A_65 = arith.constant 0 : i32
    %cond3A_66 = arith.cmpi ne, %convert_element_type3A_64, %cond3A_65 : i32
    scf.if %cond3A_66 {
      %add3A_101 = arith.constant 32768 : i32
      %add3A_102 = arith.addi %add3A_101, %mul3A_0 : i32
      "tpu.region"() ({
        %run_scoped3A = tpu.sem_alloc : memref<!tpu.dma_semaphore, #tpu.memory_space<semaphore_mem>>
        %dma_start3A = tpu.memref_slice %arg3[%add3A_102] : memref<98304xi32, #tpu.memory_space<hbm>> -> memref<2048xi32, #tpu.memory_space<hbm>>
        %dma_start3A_103 = tpu.memref_slice %arg3[%add3A_102] : memref<98304xi32, #tpu.memory_space<hbm>> -> memref<2048xi32, #tpu.memory_space<hbm>>
        tpu.enqueue_dma source(%dma_start3A_103 : memref<2048xi32, #tpu.memory_space<hbm>>) target(%arg10 : memref<2048xi32, #tpu.memory_space<vmem>>) target_semaphore(%run_scoped3A : memref<!tpu.dma_semaphore, #tpu.memory_space<semaphore_mem>>)
        %dma_wait3A = tpu.memref_slice %arg3[%add3A_102] : memref<98304xi32, #tpu.memory_space<hbm>> -> memref<2048xi32, #tpu.memory_space<hbm>>
        %dma_wait3A_104 = tpu.memref_slice %arg3[%add3A_102] : memref<98304xi32, #tpu.memory_space<hbm>> -> memref<2048xi32, #tpu.memory_space<hbm>>
        tpu.wait_dma2 semaphore(%run_scoped3A : memref<!tpu.dma_semaphore, #tpu.memory_space<semaphore_mem>>) src(%dma_wait3A_104 : memref<2048xi32, #tpu.memory_space<hbm>>) dst(%arg10 : memref<2048xi32, #tpu.memory_space<vmem>>)
        tpu.yield
      }) : () -> ()
    } else {
    }
    "tpu.region"() ({
      %run_scoped3A = tpu.sem_alloc : memref<!tpu.dma_semaphore, #tpu.memory_space<semaphore_mem>>
      %dma_start3A = arith.constant 0 : i32
      %dma_start3A_101 = tpu.memref_slice %arg9[%dma_start3A] : memref<1048576xf32, #tpu.memory_space<vmem_shared>> -> memref<1048576xf32, #tpu.memory_space<vmem_shared>>
      tpu.enqueue_indirect_dma source(%arg11 : memref<2048xf32, #tpu.memory_space<vmem>>) target(%dma_start3A_101 : memref<1048576xf32, #tpu.memory_space<vmem_shared>>) offsets(%arg10 : memref<2048xi32, #tpu.memory_space<vmem>>) semaphore(%run_scoped3A : memref<!tpu.dma_semaphore, #tpu.memory_space<semaphore_mem>>) {add = true}
      %dma_wait3A = arith.constant 0 : i32
      %dma_wait3A_102 = tpu.memref_slice %arg9[%dma_wait3A] : memref<1048576xf32, #tpu.memory_space<vmem_shared>> -> memref<1048576xf32, #tpu.memory_space<vmem_shared>>
      tpu.wait_indirect_dma semaphore(%run_scoped3A : memref<!tpu.dma_semaphore, #tpu.memory_space<semaphore_mem>>) src(%arg11 : memref<2048xf32, #tpu.memory_space<vmem>>) dst(%dma_wait3A_102 : memref<1048576xf32, #tpu.memory_space<vmem_shared>>)
      tpu.yield
    }) : () -> ()
    %barrier3A_67 = arith.constant 0 : index
    tpu.barrier barrier_id(%barrier3A_67)
    %eq3A_68 = arith.constant 0 : i32
    %eq3A_69 = arith.cmpi eq, %arg0, %eq3A_68 : i32
    %convert_element_type3A_70 = arith.extui %eq3A_69 : i1 to i32
    %cond3A_71 = arith.constant 0 : i32
    %cond3A_72 = arith.cmpi ne, %convert_element_type3A_70, %cond3A_71 : i32
    scf.if %cond3A_72 {
      %mul3A_101 = arith.constant 65536 : i32
      %mul3A_102 = arith.muli %arg1, %mul3A_101 : i32
      %mul3A_103 = arith.constant 65536 : i32
      %mul3A_104 = arith.muli %arg1, %mul3A_103 : i32
      %add3A_105 = arith.constant 1048576 : i32
      %add3A_106 = arith.addi %add3A_105, %mul3A_104 : i32
      "tpu.region"() ({
        %run_scoped3A = tpu.sem_alloc : memref<!tpu.dma_semaphore, #tpu.memory_space<semaphore_mem>>
        %dma_start3A = tpu.memref_slice %arg7[%add3A_106] : memref<3145728xf32, #tpu.memory_space<hbm>> -> memref<65536xf32, #tpu.memory_space<hbm>>
        %dma_start3A_107 = tpu.memref_slice %arg9[%mul3A_102] : memref<1048576xf32, #tpu.memory_space<vmem_shared>> -> memref<65536xf32, #tpu.memory_space<vmem_shared>>
        tpu.enqueue_dma source(%dma_start3A_107 : memref<65536xf32, #tpu.memory_space<vmem_shared>>) target(%dma_start3A : memref<65536xf32, #tpu.memory_space<hbm>>) target_semaphore(%run_scoped3A : memref<!tpu.dma_semaphore, #tpu.memory_space<semaphore_mem>>)
        %dma_wait3A = tpu.memref_slice %arg7[%add3A_106] : memref<3145728xf32, #tpu.memory_space<hbm>> -> memref<65536xf32, #tpu.memory_space<hbm>>
        %dma_wait3A_108 = tpu.memref_slice %arg9[%mul3A_102] : memref<1048576xf32, #tpu.memory_space<vmem_shared>> -> memref<65536xf32, #tpu.memory_space<vmem_shared>>
        tpu.wait_dma2 semaphore(%run_scoped3A : memref<!tpu.dma_semaphore, #tpu.memory_space<semaphore_mem>>) src(%dma_wait3A_108 : memref<65536xf32, #tpu.memory_space<vmem_shared>>) dst(%dma_wait3A : memref<65536xf32, #tpu.memory_space<hbm>>)
        tpu.yield
      }) : () -> ()
    } else {
    }
    %eq3A_73 = arith.constant 1 : i32
    %eq3A_74 = arith.cmpi eq, %arg0, %eq3A_73 : i32
    %convert_element_type3A_75 = arith.extui %eq3A_74 : i1 to i32
    %cond3A_76 = arith.constant 0 : i32
    %cond3A_77 = arith.cmpi ne, %convert_element_type3A_75, %cond3A_76 : i32
    scf.if %cond3A_77 {
      %mul3A_101 = arith.constant 65536 : i32
      %mul3A_102 = arith.muli %arg1, %mul3A_101 : i32
      %mul3A_103 = arith.constant 65536 : i32
      %mul3A_104 = arith.muli %arg1, %mul3A_103 : i32
      %add3A_105 = arith.constant 1048576 : i32
      %add3A_106 = arith.addi %add3A_105, %mul3A_104 : i32
      "tpu.region"() ({
        %run_scoped3A = tpu.sem_alloc : memref<!tpu.dma_semaphore, #tpu.memory_space<semaphore_mem>>
        %dma_start3A = tpu.memref_slice %arg8[%add3A_106] : memref<3145728xf32, #tpu.memory_space<hbm>> -> memref<65536xf32, #tpu.memory_space<hbm>>
        %dma_start3A_107 = tpu.memref_slice %arg9[%mul3A_102] : memref<1048576xf32, #tpu.memory_space<vmem_shared>> -> memref<65536xf32, #tpu.memory_space<vmem_shared>>
        tpu.enqueue_dma source(%dma_start3A_107 : memref<65536xf32, #tpu.memory_space<vmem_shared>>) target(%dma_start3A : memref<65536xf32, #tpu.memory_space<hbm>>) target_semaphore(%run_scoped3A : memref<!tpu.dma_semaphore, #tpu.memory_space<semaphore_mem>>)
        %dma_wait3A = tpu.memref_slice %arg8[%add3A_106] : memref<3145728xf32, #tpu.memory_space<hbm>> -> memref<65536xf32, #tpu.memory_space<hbm>>
        %dma_wait3A_108 = tpu.memref_slice %arg9[%mul3A_102] : memref<1048576xf32, #tpu.memory_space<vmem_shared>> -> memref<65536xf32, #tpu.memory_space<vmem_shared>>
        tpu.wait_dma2 semaphore(%run_scoped3A : memref<!tpu.dma_semaphore, #tpu.memory_space<semaphore_mem>>) src(%dma_wait3A_108 : memref<65536xf32, #tpu.memory_space<vmem_shared>>) dst(%dma_wait3A : memref<65536xf32, #tpu.memory_space<hbm>>)
        tpu.yield
      }) : () -> ()
    } else {
    }
    %barrier3A_78 = arith.constant 0 : index
    tpu.barrier barrier_id(%barrier3A_78)
    "tpu.region"() ({
      %run_scoped3A = tpu.sem_alloc : memref<!tpu.dma_semaphore, #tpu.memory_space<semaphore_mem>>
      %dma_start3A = arith.constant 0 : i32
      %dma_start3A_101 = tpu.memref_slice %arg12[%dma_start3A] : memref<8192xf32, #tpu.memory_space<vmem>> -> memref<2048xf32, #tpu.memory_space<vmem>>
      %dma_start3A_102 = arith.constant 0 : i32
      %dma_start3A_103 = tpu.memref_slice %arg9[%dma_start3A_102] : memref<1048576xf32, #tpu.memory_space<vmem_shared>> -> memref<1048576xf32, #tpu.memory_space<vmem_shared>>
      tpu.enqueue_indirect_dma source(%dma_start3A_101 : memref<2048xf32, #tpu.memory_space<vmem>>) target(%dma_start3A_103 : memref<1048576xf32, #tpu.memory_space<vmem_shared>>) offsets(%arg10 : memref<2048xi32, #tpu.memory_space<vmem>>) semaphore(%run_scoped3A : memref<!tpu.dma_semaphore, #tpu.memory_space<semaphore_mem>>)
      %dma_wait3A = arith.constant 0 : i32
      %dma_wait3A_104 = tpu.memref_slice %arg12[%dma_wait3A] : memref<8192xf32, #tpu.memory_space<vmem>> -> memref<2048xf32, #tpu.memory_space<vmem>>
      %dma_wait3A_105 = arith.constant 0 : i32
      %dma_wait3A_106 = tpu.memref_slice %arg9[%dma_wait3A_105] : memref<1048576xf32, #tpu.memory_space<vmem_shared>> -> memref<1048576xf32, #tpu.memory_space<vmem_shared>>
      tpu.wait_indirect_dma semaphore(%run_scoped3A : memref<!tpu.dma_semaphore, #tpu.memory_space<semaphore_mem>>) src(%dma_wait3A_104 : memref<2048xf32, #tpu.memory_space<vmem>>) dst(%dma_wait3A_106 : memref<1048576xf32, #tpu.memory_space<vmem_shared>>)
      tpu.yield
    }) : () -> ()
    %barrier3A_79 = arith.constant 0 : index
    tpu.barrier barrier_id(%barrier3A_79)
    %eq3A_80 = arith.constant 0 : i32
    %eq3A_81 = arith.cmpi eq, %arg0, %eq3A_80 : i32
    %convert_element_type3A_82 = arith.extui %eq3A_81 : i1 to i32
    %cond3A_83 = arith.constant 0 : i32
    %cond3A_84 = arith.cmpi ne, %convert_element_type3A_82, %cond3A_83 : i32
    scf.if %cond3A_84 {
      %add3A_101 = arith.constant 65536 : i32
      %add3A_102 = arith.addi %add3A_101, %mul3A_0 : i32
      "tpu.region"() ({
        %run_scoped3A = tpu.sem_alloc : memref<!tpu.dma_semaphore, #tpu.memory_space<semaphore_mem>>
        %dma_start3A = tpu.memref_slice %arg2[%add3A_102] : memref<98304xi32, #tpu.memory_space<hbm>> -> memref<2048xi32, #tpu.memory_space<hbm>>
        %dma_start3A_105 = tpu.memref_slice %arg2[%add3A_102] : memref<98304xi32, #tpu.memory_space<hbm>> -> memref<2048xi32, #tpu.memory_space<hbm>>
        tpu.enqueue_dma source(%dma_start3A_105 : memref<2048xi32, #tpu.memory_space<hbm>>) target(%arg10 : memref<2048xi32, #tpu.memory_space<vmem>>) target_semaphore(%run_scoped3A : memref<!tpu.dma_semaphore, #tpu.memory_space<semaphore_mem>>)
        %dma_wait3A = tpu.memref_slice %arg2[%add3A_102] : memref<98304xi32, #tpu.memory_space<hbm>> -> memref<2048xi32, #tpu.memory_space<hbm>>
        %dma_wait3A_106 = tpu.memref_slice %arg2[%add3A_102] : memref<98304xi32, #tpu.memory_space<hbm>> -> memref<2048xi32, #tpu.memory_space<hbm>>
        tpu.wait_dma2 semaphore(%run_scoped3A : memref<!tpu.dma_semaphore, #tpu.memory_space<semaphore_mem>>) src(%dma_wait3A_106 : memref<2048xi32, #tpu.memory_space<hbm>>) dst(%arg10 : memref<2048xi32, #tpu.memory_space<vmem>>)
        tpu.yield
      }) : () -> ()
      %add3A_103 = arith.constant 65536 : i32
      %add3A_104 = arith.addi %add3A_103, %mul3A_0 : i32
      "tpu.region"() ({
        %run_scoped3A = tpu.sem_alloc : memref<!tpu.dma_semaphore, #tpu.memory_space<semaphore_mem>>
        %dma_start3A = tpu.memref_slice %arg4[%add3A_104] : memref<98304xf32, #tpu.memory_space<hbm>> -> memref<2048xf32, #tpu.memory_space<hbm>>
        %dma_start3A_105 = tpu.memref_slice %arg4[%add3A_104] : memref<98304xf32, #tpu.memory_space<hbm>> -> memref<2048xf32, #tpu.memory_space<hbm>>
        tpu.enqueue_dma source(%dma_start3A_105 : memref<2048xf32, #tpu.memory_space<hbm>>) target(%arg11 : memref<2048xf32, #tpu.memory_space<vmem>>) target_semaphore(%run_scoped3A : memref<!tpu.dma_semaphore, #tpu.memory_space<semaphore_mem>>)
        %dma_wait3A = tpu.memref_slice %arg4[%add3A_104] : memref<98304xf32, #tpu.memory_space<hbm>> -> memref<2048xf32, #tpu.memory_space<hbm>>
        %dma_wait3A_106 = tpu.memref_slice %arg4[%add3A_104] : memref<98304xf32, #tpu.memory_space<hbm>> -> memref<2048xf32, #tpu.memory_space<hbm>>
        tpu.wait_dma2 semaphore(%run_scoped3A : memref<!tpu.dma_semaphore, #tpu.memory_space<semaphore_mem>>) src(%dma_wait3A_106 : memref<2048xf32, #tpu.memory_space<hbm>>) dst(%arg11 : memref<2048xf32, #tpu.memory_space<vmem>>)
        tpu.yield
      }) : () -> ()
    } else {
    }
    %eq3A_85 = arith.constant 1 : i32
    %eq3A_86 = arith.cmpi eq, %arg0, %eq3A_85 : i32
    %convert_element_type3A_87 = arith.extui %eq3A_86 : i1 to i32
    %cond3A_88 = arith.constant 0 : i32
    %cond3A_89 = arith.cmpi ne, %convert_element_type3A_87, %cond3A_88 : i32
    scf.if %cond3A_89 {
      %add3A_101 = arith.constant 65536 : i32
      %add3A_102 = arith.addi %add3A_101, %mul3A_0 : i32
      "tpu.region"() ({
        %run_scoped3A = tpu.sem_alloc : memref<!tpu.dma_semaphore, #tpu.memory_space<semaphore_mem>>
        %dma_start3A = tpu.memref_slice %arg3[%add3A_102] : memref<98304xi32, #tpu.memory_space<hbm>> -> memref<2048xi32, #tpu.memory_space<hbm>>
        %dma_start3A_103 = tpu.memref_slice %arg3[%add3A_102] : memref<98304xi32, #tpu.memory_space<hbm>> -> memref<2048xi32, #tpu.memory_space<hbm>>
        tpu.enqueue_dma source(%dma_start3A_103 : memref<2048xi32, #tpu.memory_space<hbm>>) target(%arg10 : memref<2048xi32, #tpu.memory_space<vmem>>) target_semaphore(%run_scoped3A : memref<!tpu.dma_semaphore, #tpu.memory_space<semaphore_mem>>)
        %dma_wait3A = tpu.memref_slice %arg3[%add3A_102] : memref<98304xi32, #tpu.memory_space<hbm>> -> memref<2048xi32, #tpu.memory_space<hbm>>
        %dma_wait3A_104 = tpu.memref_slice %arg3[%add3A_102] : memref<98304xi32, #tpu.memory_space<hbm>> -> memref<2048xi32, #tpu.memory_space<hbm>>
        tpu.wait_dma2 semaphore(%run_scoped3A : memref<!tpu.dma_semaphore, #tpu.memory_space<semaphore_mem>>) src(%dma_wait3A_104 : memref<2048xi32, #tpu.memory_space<hbm>>) dst(%arg10 : memref<2048xi32, #tpu.memory_space<vmem>>)
        tpu.yield
      }) : () -> ()
    } else {
    }
    "tpu.region"() ({
      %run_scoped3A = tpu.sem_alloc : memref<!tpu.dma_semaphore, #tpu.memory_space<semaphore_mem>>
      %dma_start3A = arith.constant 0 : i32
      %dma_start3A_101 = tpu.memref_slice %arg9[%dma_start3A] : memref<1048576xf32, #tpu.memory_space<vmem_shared>> -> memref<1048576xf32, #tpu.memory_space<vmem_shared>>
      tpu.enqueue_indirect_dma source(%arg11 : memref<2048xf32, #tpu.memory_space<vmem>>) target(%dma_start3A_101 : memref<1048576xf32, #tpu.memory_space<vmem_shared>>) offsets(%arg10 : memref<2048xi32, #tpu.memory_space<vmem>>) semaphore(%run_scoped3A : memref<!tpu.dma_semaphore, #tpu.memory_space<semaphore_mem>>) {add = true}
      %dma_wait3A = arith.constant 0 : i32
      %dma_wait3A_102 = tpu.memref_slice %arg9[%dma_wait3A] : memref<1048576xf32, #tpu.memory_space<vmem_shared>> -> memref<1048576xf32, #tpu.memory_space<vmem_shared>>
      tpu.wait_indirect_dma semaphore(%run_scoped3A : memref<!tpu.dma_semaphore, #tpu.memory_space<semaphore_mem>>) src(%arg11 : memref<2048xf32, #tpu.memory_space<vmem>>) dst(%dma_wait3A_102 : memref<1048576xf32, #tpu.memory_space<vmem_shared>>)
      tpu.yield
    }) : () -> ()
    %barrier3A_90 = arith.constant 0 : index
    tpu.barrier barrier_id(%barrier3A_90)
    %eq3A_91 = arith.constant 0 : i32
    %eq3A_92 = arith.cmpi eq, %arg0, %eq3A_91 : i32
    %convert_element_type3A_93 = arith.extui %eq3A_92 : i1 to i32
    %cond3A_94 = arith.constant 0 : i32
    %cond3A_95 = arith.cmpi ne, %convert_element_type3A_93, %cond3A_94 : i32
    scf.if %cond3A_95 {
      %mul3A_101 = arith.constant 65536 : i32
      %mul3A_102 = arith.muli %arg1, %mul3A_101 : i32
      %mul3A_103 = arith.constant 65536 : i32
      %mul3A_104 = arith.muli %arg1, %mul3A_103 : i32
      %add3A_105 = arith.constant 2097152 : i32
      %add3A_106 = arith.addi %add3A_105, %mul3A_104 : i32
      "tpu.region"() ({
        %run_scoped3A = tpu.sem_alloc : memref<!tpu.dma_semaphore, #tpu.memory_space<semaphore_mem>>
        %dma_start3A = tpu.memref_slice %arg7[%add3A_106] : memref<3145728xf32, #tpu.memory_space<hbm>> -> memref<65536xf32, #tpu.memory_space<hbm>>
        %dma_start3A_107 = tpu.memref_slice %arg9[%mul3A_102] : memref<1048576xf32, #tpu.memory_space<vmem_shared>> -> memref<65536xf32, #tpu.memory_space<vmem_shared>>
        tpu.enqueue_dma source(%dma_start3A_107 : memref<65536xf32, #tpu.memory_space<vmem_shared>>) target(%dma_start3A : memref<65536xf32, #tpu.memory_space<hbm>>) target_semaphore(%run_scoped3A : memref<!tpu.dma_semaphore, #tpu.memory_space<semaphore_mem>>)
        %dma_wait3A = tpu.memref_slice %arg7[%add3A_106] : memref<3145728xf32, #tpu.memory_space<hbm>> -> memref<65536xf32, #tpu.memory_space<hbm>>
        %dma_wait3A_108 = tpu.memref_slice %arg9[%mul3A_102] : memref<1048576xf32, #tpu.memory_space<vmem_shared>> -> memref<65536xf32, #tpu.memory_space<vmem_shared>>
        tpu.wait_dma2 semaphore(%run_scoped3A : memref<!tpu.dma_semaphore, #tpu.memory_space<semaphore_mem>>) src(%dma_wait3A_108 : memref<65536xf32, #tpu.memory_space<vmem_shared>>) dst(%dma_wait3A : memref<65536xf32, #tpu.memory_space<hbm>>)
        tpu.yield
      }) : () -> ()
    } else {
    }
    %eq3A_96 = arith.constant 1 : i32
    %eq3A_97 = arith.cmpi eq, %arg0, %eq3A_96 : i32
    %convert_element_type3A_98 = arith.extui %eq3A_97 : i1 to i32
    %cond3A_99 = arith.constant 0 : i32
    %cond3A_100 = arith.cmpi ne, %convert_element_type3A_98, %cond3A_99 : i32
    scf.if %cond3A_100 {
      %mul3A_101 = arith.constant 65536 : i32
      %mul3A_102 = arith.muli %arg1, %mul3A_101 : i32
      %mul3A_103 = arith.constant 65536 : i32
      %mul3A_104 = arith.muli %arg1, %mul3A_103 : i32
      %add3A_105 = arith.constant 2097152 : i32
      %add3A_106 = arith.addi %add3A_105, %mul3A_104 : i32
      "tpu.region"() ({
        %run_scoped3A = tpu.sem_alloc : memref<!tpu.dma_semaphore, #tpu.memory_space<semaphore_mem>>
        %dma_start3A = tpu.memref_slice %arg8[%add3A_106] : memref<3145728xf32, #tpu.memory_space<hbm>> -> memref<65536xf32, #tpu.memory_space<hbm>>
        %dma_start3A_107 = tpu.memref_slice %arg9[%mul3A_102] : memref<1048576xf32, #tpu.memory_space<vmem_shared>> -> memref<65536xf32, #tpu.memory_space<vmem_shared>>
        tpu.enqueue_dma source(%dma_start3A_107 : memref<65536xf32, #tpu.memory_space<vmem_shared>>) target(%dma_start3A : memref<65536xf32, #tpu.memory_space<hbm>>) target_semaphore(%run_scoped3A : memref<!tpu.dma_semaphore, #tpu.memory_space<semaphore_mem>>)
        %dma_wait3A = tpu.memref_slice %arg8[%add3A_106] : memref<3145728xf32, #tpu.memory_space<hbm>> -> memref<65536xf32, #tpu.memory_space<hbm>>
        %dma_wait3A_108 = tpu.memref_slice %arg9[%mul3A_102] : memref<1048576xf32, #tpu.memory_space<vmem_shared>> -> memref<65536xf32, #tpu.memory_space<vmem_shared>>
        tpu.wait_dma2 semaphore(%run_scoped3A : memref<!tpu.dma_semaphore, #tpu.memory_space<semaphore_mem>>) src(%dma_wait3A_108 : memref<65536xf32, #tpu.memory_space<vmem_shared>>) dst(%dma_wait3A : memref<65536xf32, #tpu.memory_space<hbm>>)
        tpu.yield
      }) : () -> ()
    } else {
    }
    return
  }
}

module attributes {stable_mosaic.version = 14 : i64} {
  func.func @_combine_body(%arg0: i32, %arg1: memref<8xf32, #tpu.memory_space<smem>>, %arg2: memref<3x1024x64xf32, #tpu.memory_space<vmem>>, %arg3: memref<131072xf32, #tpu.memory_space<vmem>>, %arg4: memref<131072xf32, #tpu.memory_space<vmem>>, %arg5: memref<131072xf32, #tpu.memory_space<vmem>>, %arg6: memref<1x64xf32, #tpu.memory_space<vmem>>, %arg7: memref<128x1024xf32, #tpu.memory_space<vmem>>) attributes {dimension_semantics = [#tpu.dimension_semantics<arbitrary>], iteration_bounds = array<i64: 8>, scalar_prefetch = 0 : i64, scratch_operands = 0 : i64, tpu.core_type = #tpu.core_type<tc>, window_params = [{transform_indices = @transform_0, window_bounds = array<i64: 8>}, {pipeline_mode = #tpu.pipeline_mode<synchronous>, transform_indices = @transform_1, window_bounds = array<i64: 3, 1024, 64>}, {transform_indices = @transform_2, window_bounds = array<i64: 131072>}, {transform_indices = @transform_3, window_bounds = array<i64: 131072>}, {transform_indices = @transform_4, window_bounds = array<i64: 131072>}, {pipeline_mode = #tpu.pipeline_mode<synchronous>, transform_indices = @transform_5, window_bounds = array<i64: 1, 64>}, {transform_indices = @transform_6, window_bounds = array<i64: 128, 1024>}]} {
    %get3A = arith.constant 0 : index
    %get3A_0 = memref.load %arg1[%get3A] : memref<8xf32, #tpu.memory_space<smem>>
    %get3A_1 = arith.constant 1 : index
    %get3A_2 = memref.load %arg1[%get3A_1] : memref<8xf32, #tpu.memory_space<smem>>
    %get3A_3 = arith.constant 2 : index
    %get3A_4 = memref.load %arg1[%get3A_3] : memref<8xf32, #tpu.memory_space<smem>>
    %get3A_5 = arith.constant 3 : index
    %get3A_6 = memref.load %arg1[%get3A_5] : memref<8xf32, #tpu.memory_space<smem>>
    %get3A_7 = arith.constant 4 : index
    %get3A_8 = memref.load %arg1[%get3A_7] : memref<8xf32, #tpu.memory_space<smem>>
    %get3A_9 = arith.constant 5 : index
    %get3A_10 = memref.load %arg1[%get3A_9] : memref<8xf32, #tpu.memory_space<smem>>
    %get3A_11 = arith.constant 6 : index
    %get3A_12 = memref.load %arg1[%get3A_11] : memref<8xf32, #tpu.memory_space<smem>>
    %get3A_13 = arith.constant 0 : index
    %get3A_14 = arith.constant 0 : index
    %get3A_15 = vector.load %arg6[%get3A_13, %get3A_14] : memref<1x64xf32, #tpu.memory_space<vmem>>, vector<1x64xf32>
    %mul3A = arith.constant 128 : i32
    %mul3A_16 = arith.muli %arg0, %mul3A : i32
    %get3A_17 = arith.constant 0 : index
    %get3A_18 = arith.index_cast %mul3A_16 : i32 to index
    %get3A_19 = arith.constant 0 : index
    %get3A_20 = vector.load %arg2[%get3A_17, %get3A_18, %get3A_19] : memref<3x1024x64xf32, #tpu.memory_space<vmem>>, vector<1x128x64xf32>
    %get3A_21 = vector.shape_cast %get3A_20 : vector<1x128x64xf32> to vector<128x64xf32>
    %mul3A_22 = vector.broadcast %get3A_15 : vector<1x64xf32> to vector<128x64xf32>
    %mul3A_23 = arith.mulf %get3A_21, %mul3A_22 : vector<128x64xf32>
    %get3A_24 = arith.constant 0 : index
    %get3A_25 = arith.constant 0 : index
    %get3A_26 = arith.constant 0 : index
    %get3A_27 = vector.load %arg2[%get3A_24, %get3A_25, %get3A_26] : memref<3x1024x64xf32, #tpu.memory_space<vmem>>, vector<1x1024x64xf32>
    %get3A_28 = vector.shape_cast %get3A_27 : vector<1x1024x64xf32> to vector<1024x64xf32>
    %dot_general3A = arith.constant dense<0.000000e+00> : vector<128x1024xf32>
    %dot_general3A_29 = tpu.matmul %mul3A_23, %get3A_28, %dot_general3A {dimension_numbers = #tpu.dot_dimension_numbers<[1], [1], [0], [0], [0, 0, 1, 0], [], []>, precision = #tpu.contract_precision<fp32>, transpose_lhs_hint = false} : vector<128x64xf32>, vector<1024x64xf32>, vector<128x1024xf32> -> vector<128x1024xf32>
    %get3A_30 = arith.constant 0 : index
    %get3A_31 = vector.load %arg3[%get3A_30] : memref<131072xf32, #tpu.memory_space<vmem>>, vector<131072xf32>
    %reshape3A = vector.shape_cast %get3A_31 : vector<131072xf32> to vector<128x1024xf32>
    %add3A = vector.broadcast %get3A_12 : f32 to vector<128x1024xf32>
    %add3A_32 = arith.addf %dot_general3A_29, %add3A : vector<128x1024xf32>
    %mul3A_33 = arith.mulf %reshape3A, %add3A_32 : vector<128x1024xf32>
    %convert_element_type3A = arith.truncf %mul3A_33 : vector<128x1024xf32> to vector<128x1024xbf16>
    %convert_element_type3A_34 = arith.extf %convert_element_type3A : vector<128x1024xbf16> to vector<128x1024xf32>
    %mul3A_35 = arith.constant 128 : i32
    %mul3A_36 = arith.muli %arg0, %mul3A_35 : i32
    %get3A_37 = arith.constant 1 : index
    %get3A_38 = arith.index_cast %mul3A_36 : i32 to index
    %get3A_39 = arith.constant 0 : index
    %get3A_40 = vector.load %arg2[%get3A_37, %get3A_38, %get3A_39] : memref<3x1024x64xf32, #tpu.memory_space<vmem>>, vector<1x128x64xf32>
    %get3A_41 = vector.shape_cast %get3A_40 : vector<1x128x64xf32> to vector<128x64xf32>
    %mul3A_42 = vector.broadcast %get3A_15 : vector<1x64xf32> to vector<128x64xf32>
    %mul3A_43 = arith.mulf %get3A_41, %mul3A_42 : vector<128x64xf32>
    %get3A_44 = arith.constant 1 : index
    %get3A_45 = arith.constant 0 : index
    %get3A_46 = arith.constant 0 : index
    %get3A_47 = vector.load %arg2[%get3A_44, %get3A_45, %get3A_46] : memref<3x1024x64xf32, #tpu.memory_space<vmem>>, vector<1x1024x64xf32>
    %get3A_48 = vector.shape_cast %get3A_47 : vector<1x1024x64xf32> to vector<1024x64xf32>
    %dot_general3A_49 = arith.constant dense<0.000000e+00> : vector<128x1024xf32>
    %dot_general3A_50 = tpu.matmul %mul3A_43, %get3A_48, %dot_general3A_49 {dimension_numbers = #tpu.dot_dimension_numbers<[1], [1], [0], [0], [0, 0, 1, 0], [], []>, precision = #tpu.contract_precision<fp32>, transpose_lhs_hint = false} : vector<128x64xf32>, vector<1024x64xf32>, vector<128x1024xf32> -> vector<128x1024xf32>
    %get3A_51 = arith.constant 0 : index
    %get3A_52 = vector.load %arg4[%get3A_51] : memref<131072xf32, #tpu.memory_space<vmem>>, vector<131072xf32>
    %reshape3A_53 = vector.shape_cast %get3A_52 : vector<131072xf32> to vector<128x1024xf32>
    %add3A_54 = vector.broadcast %get3A_12 : f32 to vector<128x1024xf32>
    %add3A_55 = arith.addf %dot_general3A_50, %add3A_54 : vector<128x1024xf32>
    %mul3A_56 = arith.mulf %reshape3A_53, %add3A_55 : vector<128x1024xf32>
    %convert_element_type3A_57 = arith.truncf %mul3A_56 : vector<128x1024xf32> to vector<128x1024xbf16>
    %convert_element_type3A_58 = arith.extf %convert_element_type3A_57 : vector<128x1024xbf16> to vector<128x1024xf32>
    %mul3A_59 = arith.constant 128 : i32
    %mul3A_60 = arith.muli %arg0, %mul3A_59 : i32
    %get3A_61 = arith.constant 2 : index
    %get3A_62 = arith.index_cast %mul3A_60 : i32 to index
    %get3A_63 = arith.constant 0 : index
    %get3A_64 = vector.load %arg2[%get3A_61, %get3A_62, %get3A_63] : memref<3x1024x64xf32, #tpu.memory_space<vmem>>, vector<1x128x64xf32>
    %get3A_65 = vector.shape_cast %get3A_64 : vector<1x128x64xf32> to vector<128x64xf32>
    %mul3A_66 = vector.broadcast %get3A_15 : vector<1x64xf32> to vector<128x64xf32>
    %mul3A_67 = arith.mulf %get3A_65, %mul3A_66 : vector<128x64xf32>
    %get3A_68 = arith.constant 2 : index
    %get3A_69 = arith.constant 0 : index
    %get3A_70 = arith.constant 0 : index
    %get3A_71 = vector.load %arg2[%get3A_68, %get3A_69, %get3A_70] : memref<3x1024x64xf32, #tpu.memory_space<vmem>>, vector<1x1024x64xf32>
    %get3A_72 = vector.shape_cast %get3A_71 : vector<1x1024x64xf32> to vector<1024x64xf32>
    %dot_general3A_73 = arith.constant dense<0.000000e+00> : vector<128x1024xf32>
    %dot_general3A_74 = tpu.matmul %mul3A_67, %get3A_72, %dot_general3A_73 {dimension_numbers = #tpu.dot_dimension_numbers<[1], [1], [0], [0], [0, 0, 1, 0], [], []>, precision = #tpu.contract_precision<fp32>, transpose_lhs_hint = false} : vector<128x64xf32>, vector<1024x64xf32>, vector<128x1024xf32> -> vector<128x1024xf32>
    %get3A_75 = arith.constant 0 : index
    %get3A_76 = vector.load %arg5[%get3A_75] : memref<131072xf32, #tpu.memory_space<vmem>>, vector<131072xf32>
    %reshape3A_77 = vector.shape_cast %get3A_76 : vector<131072xf32> to vector<128x1024xf32>
    %add3A_78 = vector.broadcast %get3A_12 : f32 to vector<128x1024xf32>
    %add3A_79 = arith.addf %dot_general3A_74, %add3A_78 : vector<128x1024xf32>
    %mul3A_80 = arith.mulf %reshape3A_77, %add3A_79 : vector<128x1024xf32>
    %convert_element_type3A_81 = arith.truncf %mul3A_80 : vector<128x1024xf32> to vector<128x1024xbf16>
    %convert_element_type3A_82 = arith.extf %convert_element_type3A_81 : vector<128x1024xbf16> to vector<128x1024xf32>
    %mul3A_83 = vector.broadcast %get3A_4 : f32 to vector<128x1024xf32>
    %mul3A_84 = arith.mulf %mul3A_83, %convert_element_type3A_34 : vector<128x1024xf32>
    %logistic3A = arith.negf %mul3A_84 : vector<128x1024xf32>
    %logistic3A_85 = math.exp %logistic3A : vector<128x1024xf32>
    %logistic3A_86 = arith.constant 1.000000e+00 : f32
    %logistic3A_87 = vector.broadcast %logistic3A_86 : f32 to vector<128x1024xf32>
    %logistic3A_88 = arith.addf %logistic3A_87, %logistic3A_85 : vector<128x1024xf32>
    %logistic3A_89 = arith.divf %logistic3A_87, %logistic3A_88 : vector<128x1024xf32>
    %mul3A_90 = arith.mulf %mul3A_84, %logistic3A_89 : vector<128x1024xf32>
    %mul3A_91 = vector.broadcast %get3A_2 : f32 to vector<128x1024xf32>
    %mul3A_92 = arith.mulf %mul3A_91, %convert_element_type3A_34 : vector<128x1024xf32>
    %mul3A_93 = vector.broadcast %get3A_4 : f32 to vector<128x1024xf32>
    %mul3A_94 = arith.mulf %mul3A_93, %convert_element_type3A_58 : vector<128x1024xf32>
    %add3A_95 = arith.addf %mul3A_92, %mul3A_94 : vector<128x1024xf32>
    %logistic3A_96 = arith.negf %add3A_95 : vector<128x1024xf32>
    %logistic3A_97 = math.exp %logistic3A_96 : vector<128x1024xf32>
    %logistic3A_98 = arith.constant 1.000000e+00 : f32
    %logistic3A_99 = vector.broadcast %logistic3A_98 : f32 to vector<128x1024xf32>
    %logistic3A_100 = arith.addf %logistic3A_99, %logistic3A_97 : vector<128x1024xf32>
    %logistic3A_101 = arith.divf %logistic3A_99, %logistic3A_100 : vector<128x1024xf32>
    %mul3A_102 = arith.mulf %add3A_95, %logistic3A_101 : vector<128x1024xf32>
    %mul3A_103 = vector.broadcast %get3A_0 : f32 to vector<128x1024xf32>
    %mul3A_104 = arith.mulf %mul3A_103, %convert_element_type3A_34 : vector<128x1024xf32>
    %mul3A_105 = vector.broadcast %get3A_2 : f32 to vector<128x1024xf32>
    %mul3A_106 = arith.mulf %mul3A_105, %convert_element_type3A_58 : vector<128x1024xf32>
    %add3A_107 = arith.addf %mul3A_104, %mul3A_106 : vector<128x1024xf32>
    %mul3A_108 = vector.broadcast %get3A_4 : f32 to vector<128x1024xf32>
    %mul3A_109 = arith.mulf %mul3A_108, %convert_element_type3A_82 : vector<128x1024xf32>
    %add3A_110 = arith.addf %add3A_107, %mul3A_109 : vector<128x1024xf32>
    %logistic3A_111 = arith.negf %add3A_110 : vector<128x1024xf32>
    %logistic3A_112 = math.exp %logistic3A_111 : vector<128x1024xf32>
    %logistic3A_113 = arith.constant 1.000000e+00 : f32
    %logistic3A_114 = vector.broadcast %logistic3A_113 : f32 to vector<128x1024xf32>
    %logistic3A_115 = arith.addf %logistic3A_114, %logistic3A_112 : vector<128x1024xf32>
    %logistic3A_116 = arith.divf %logistic3A_114, %logistic3A_115 : vector<128x1024xf32>
    %mul3A_117 = arith.mulf %add3A_110, %logistic3A_116 : vector<128x1024xf32>
    %mul3A_118 = vector.broadcast %get3A_6 : f32 to vector<128x1024xf32>
    %mul3A_119 = arith.mulf %mul3A_118, %mul3A_90 : vector<128x1024xf32>
    %mul3A_120 = vector.broadcast %get3A_8 : f32 to vector<128x1024xf32>
    %mul3A_121 = arith.mulf %mul3A_120, %mul3A_102 : vector<128x1024xf32>
    %add3A_122 = arith.addf %mul3A_119, %mul3A_121 : vector<128x1024xf32>
    %mul3A_123 = vector.broadcast %get3A_10 : f32 to vector<128x1024xf32>
    %mul3A_124 = arith.mulf %mul3A_123, %mul3A_117 : vector<128x1024xf32>
    %add3A_125 = arith.addf %add3A_122, %mul3A_124 : vector<128x1024xf32>
    %swap3A = arith.constant 0 : index
    %swap3A_126 = arith.constant 0 : index
    %swap3A_127 = vector.load %arg7[%swap3A, %swap3A_126] : memref<128x1024xf32, #tpu.memory_space<vmem>>, vector<128x1024xf32>
    tpu.vector_store %arg7[%swap3A, %swap3A_126], %add3A_125 {strides = array<i32>} : memref<128x1024xf32, #tpu.memory_space<vmem>>, vector<128x1024xf32>,
    return
  }
  func.func @transform_0(%arg0: i32) -> i32 {
    %c0_i32 = arith.constant 0 : i32
    %c0_i32_0 = arith.constant 0 : i32
    return %c0_i32 : i32
  }
  func.func @transform_1(%arg0: i32) -> (i32, i32, i32) {
    %c0_i32 = arith.constant 0 : i32
    %c0_i32_0 = arith.constant 0 : i32
    %c0_i32_1 = arith.constant 0 : i32
    %c0_i32_2 = arith.constant 0 : i32
    return %c0_i32, %c0_i32_0, %c0_i32_1 : i32, i32, i32
  }
  func.func @transform_2(%arg0: i32) -> i32 {
    %add3A = arith.constant 0 : i32
    %add3A_0 = arith.addi %add3A, %arg0 : i32
    %c0_i32 = arith.constant 0 : i32
    return %add3A_0 : i32
  }
  func.func @transform_3(%arg0: i32) -> i32 {
    %add3A = arith.constant 8 : i32
    %add3A_0 = arith.addi %add3A, %arg0 : i32
    %c0_i32 = arith.constant 0 : i32
    return %add3A_0 : i32
  }
  func.func @transform_4(%arg0: i32) -> i32 {
    %add3A = arith.constant 16 : i32
    %add3A_0 = arith.addi %add3A, %arg0 : i32
    %c0_i32 = arith.constant 0 : i32
    return %add3A_0 : i32
  }
  func.func @transform_5(%arg0: i32) -> (i32, i32) {
    %c0_i32 = arith.constant 0 : i32
    %c0_i32_0 = arith.constant 0 : i32
    %c0_i32_1 = arith.constant 0 : i32
    return %c0_i32, %c0_i32_0 : i32, i32
  }
  func.func @transform_6(%arg0: i32) -> (i32, i32) {
    %c0_i32 = arith.constant 0 : i32
    %c0_i32_0 = arith.constant 0 : i32
    return %arg0, %c0_i32 : i32, i32
  }
}

module attributes {stable_mosaic.version = 14 : i64} {
  func.func @_encode_body(%arg0: i32, %arg1: memref<1x1024x128xf32, #tpu.memory_space<vmem>>, %arg2: memref<1x1024x16xf32, #tpu.memory_space<vmem>>, %arg3: memref<1048576xf32, #tpu.memory_space<vmem>>, %arg4: memref<128x64xf32, #tpu.memory_space<vmem>>, %arg5: memref<1x64xf32, #tpu.memory_space<vmem>>, %arg6: memref<64x64xf32, #tpu.memory_space<vmem>>, %arg7: memref<16x64xf32, #tpu.memory_space<vmem>>, %arg8: memref<1x64xf32, #tpu.memory_space<vmem>>, %arg9: memref<64x64xf32, #tpu.memory_space<vmem>>, %arg10: memref<1x64xf32, #tpu.memory_space<vmem>>, %arg11: memref<1x1024x64xf32, #tpu.memory_space<vmem>>) attributes {dimension_semantics = [#tpu.dimension_semantics<arbitrary>], iteration_bounds = array<i64: 3>, scalar_prefetch = 0 : i64, scratch_operands = 0 : i64, tpu.core_type = #tpu.core_type<tc>, window_params = [{transform_indices = @transform_0, window_bounds = array<i64: 1, 1024, 128>}, {transform_indices = @transform_1, window_bounds = array<i64: 1, 1024, 16>}, {transform_indices = @transform_2, window_bounds = array<i64: 1048576>}, {pipeline_mode = #tpu.pipeline_mode<synchronous>, transform_indices = @transform_3, window_bounds = array<i64: 128, 64>}, {pipeline_mode = #tpu.pipeline_mode<synchronous>, transform_indices = @transform_4, window_bounds = array<i64: 1, 64>}, {pipeline_mode = #tpu.pipeline_mode<synchronous>, transform_indices = @transform_5, window_bounds = array<i64: 64, 64>}, {pipeline_mode = #tpu.pipeline_mode<synchronous>, transform_indices = @transform_6, window_bounds = array<i64: 16, 64>}, {pipeline_mode = #tpu.pipeline_mode<synchronous>, transform_indices = @transform_7, window_bounds = array<i64: 1, 64>}, {pipeline_mode = #tpu.pipeline_mode<synchronous>, transform_indices = @transform_8, window_bounds = array<i64: 64, 64>}, {pipeline_mode = #tpu.pipeline_mode<synchronous>, transform_indices = @transform_9, window_bounds = array<i64: 1, 64>}, {transform_indices = @transform_10, window_bounds = array<i64: 1, 1024, 64>}]} {
    %get3A = arith.constant 0 : index
    %get3A_0 = arith.constant 0 : index
    %get3A_1 = arith.constant 0 : index
    %get3A_2 = vector.load %arg1[%get3A, %get3A_0, %get3A_1] : memref<1x1024x128xf32, #tpu.memory_space<vmem>>, vector<1x1024x128xf32>
    %get3A_3 = vector.shape_cast %get3A_2 : vector<1x1024x128xf32> to vector<1024x128xf32>
    %get3A_4 = arith.constant 0 : index
    %get3A_5 = arith.constant 0 : index
    %get3A_6 = vector.load %arg4[%get3A_4, %get3A_5] : memref<128x64xf32, #tpu.memory_space<vmem>>, vector<128x64xf32>
    %dot_general3A = arith.constant dense<0.000000e+00> : vector<1024x64xf32>
    %dot_general3A_7 = tpu.matmul %get3A_3, %get3A_6, %dot_general3A {dimension_numbers = #tpu.dot_dimension_numbers<[1], [0], [0], [1], [0, 0, 1, 1], [], []>, transpose_lhs_hint = false} : vector<1024x128xf32>, vector<128x64xf32>, vector<1024x64xf32> -> vector<1024x64xf32>
    %get3A_8 = arith.constant 0 : index
    %get3A_9 = arith.constant 0 : index
    %get3A_10 = vector.load %arg5[%get3A_8, %get3A_9] : memref<1x64xf32, #tpu.memory_space<vmem>>, vector<1x64xf32>
    %add3A = vector.broadcast %get3A_10 : vector<1x64xf32> to vector<1024x64xf32>
    %add3A_11 = arith.addf %dot_general3A_7, %add3A : vector<1024x64xf32>
    %max3A = arith.constant 0.000000e+00 : f32
    %max3A_12 = vector.broadcast %max3A : f32 to vector<1024x64xf32>
    %max3A_13 = arith.maximumf %add3A_11, %max3A_12 : vector<1024x64xf32>
    %get3A_14 = arith.constant 0 : index
    %get3A_15 = arith.constant 0 : index
    %get3A_16 = vector.load %arg6[%get3A_14, %get3A_15] : memref<64x64xf32, #tpu.memory_space<vmem>>, vector<64x64xf32>
    %dot_general3A_17 = arith.constant dense<0.000000e+00> : vector<1024x64xf32>
    %dot_general3A_18 = tpu.matmul %max3A_13, %get3A_16, %dot_general3A_17 {dimension_numbers = #tpu.dot_dimension_numbers<[1], [0], [0], [1], [0, 0, 1, 1], [], []>, transpose_lhs_hint = false} : vector<1024x64xf32>, vector<64x64xf32>, vector<1024x64xf32> -> vector<1024x64xf32>
    %get3A_19 = arith.constant 0 : index
    %get3A_20 = arith.constant 0 : index
    %get3A_21 = arith.constant 0 : index
    %get3A_22 = vector.load %arg2[%get3A_19, %get3A_20, %get3A_21] : memref<1x1024x16xf32, #tpu.memory_space<vmem>>, vector<1x1024x16xf32>
    %get3A_23 = vector.shape_cast %get3A_22 : vector<1x1024x16xf32> to vector<1024x16xf32>
    %get3A_24 = arith.constant 0 : index
    %get3A_25 = arith.constant 0 : index
    %get3A_26 = vector.load %arg7[%get3A_24, %get3A_25] : memref<16x64xf32, #tpu.memory_space<vmem>>, vector<16x64xf32>
    %dot_general3A_27 = arith.constant dense<0.000000e+00> : vector<1024x64xf32>
    %dot_general3A_28 = tpu.matmul %get3A_23, %get3A_26, %dot_general3A_27 {dimension_numbers = #tpu.dot_dimension_numbers<[1], [0], [0], [1], [0, 0, 1, 1], [], []>, transpose_lhs_hint = false} : vector<1024x16xf32>, vector<16x64xf32>, vector<1024x64xf32> -> vector<1024x64xf32>
    %add3A_29 = arith.addf %dot_general3A_18, %dot_general3A_28 : vector<1024x64xf32>
    %get3A_30 = arith.constant 0 : index
    %get3A_31 = arith.constant 0 : index
    %get3A_32 = vector.load %arg8[%get3A_30, %get3A_31] : memref<1x64xf32, #tpu.memory_space<vmem>>, vector<1x64xf32>
    %add3A_33 = vector.broadcast %get3A_32 : vector<1x64xf32> to vector<1024x64xf32>
    %add3A_34 = arith.addf %add3A_29, %add3A_33 : vector<1024x64xf32>
    %max3A_35 = arith.constant 0.000000e+00 : f32
    %max3A_36 = vector.broadcast %max3A_35 : f32 to vector<1024x64xf32>
    %max3A_37 = arith.maximumf %add3A_34, %max3A_36 : vector<1024x64xf32>
    %get3A_38 = arith.constant 0 : index
    %get3A_39 = vector.load %arg3[%get3A_38] : memref<1048576xf32, #tpu.memory_space<vmem>>, vector<1048576xf32>
    %reshape3A = vector.shape_cast %get3A_39 : vector<1048576xf32> to vector<1024x1024xf32>
    %dot_general3A_40 = arith.constant dense<0.000000e+00> : vector<1024x64xf32>
    %dot_general3A_41 = tpu.matmul %reshape3A, %max3A_37, %dot_general3A_40 {dimension_numbers = #tpu.dot_dimension_numbers<[1], [0], [0], [1], [0, 0, 1, 1], [], []>, precision = #tpu.contract_precision<fp32>, transpose_lhs_hint = false} : vector<1024x1024xf32>, vector<1024x64xf32>, vector<1024x64xf32> -> vector<1024x64xf32>
    %get3A_42 = arith.constant 0 : index
    %get3A_43 = arith.constant 0 : index
    %get3A_44 = vector.load %arg9[%get3A_42, %get3A_43] : memref<64x64xf32, #tpu.memory_space<vmem>>, vector<64x64xf32>
    %dot_general3A_45 = arith.constant dense<0.000000e+00> : vector<1024x64xf32>
    %dot_general3A_46 = tpu.matmul %dot_general3A_41, %get3A_44, %dot_general3A_45 {dimension_numbers = #tpu.dot_dimension_numbers<[1], [0], [0], [1], [0, 0, 1, 1], [], []>, transpose_lhs_hint = false} : vector<1024x64xf32>, vector<64x64xf32>, vector<1024x64xf32> -> vector<1024x64xf32>
    %get3A_47 = arith.constant 0 : index
    %get3A_48 = arith.constant 0 : index
    %get3A_49 = vector.load %arg10[%get3A_47, %get3A_48] : memref<1x64xf32, #tpu.memory_space<vmem>>, vector<1x64xf32>
    %add3A_50 = vector.broadcast %get3A_49 : vector<1x64xf32> to vector<1024x64xf32>
    %add3A_51 = arith.addf %dot_general3A_46, %add3A_50 : vector<1024x64xf32>
    %max3A_52 = arith.constant 0.000000e+00 : f32
    %max3A_53 = vector.broadcast %max3A_52 : f32 to vector<1024x64xf32>
    %max3A_54 = arith.maximumf %add3A_51, %max3A_53 : vector<1024x64xf32>
    %add3A_55 = arith.addf %max3A_54, %max3A_37 : vector<1024x64xf32>
    %swap3A = arith.constant 0 : index
    %swap3A_56 = arith.constant 0 : index
    %swap3A_57 = arith.constant 0 : index
    %swap3A_58 = vector.load %arg11[%swap3A, %swap3A_56, %swap3A_57] : memref<1x1024x64xf32, #tpu.memory_space<vmem>>, vector<1x1024x64xf32>
    %swap3A_59 = vector.shape_cast %swap3A_58 : vector<1x1024x64xf32> to vector<1024x64xf32>
    %swap3A_60 = vector.shape_cast %add3A_55 : vector<1024x64xf32> to vector<1x1024x64xf32>
    tpu.vector_store %arg11[%swap3A, %swap3A_56, %swap3A_57], %swap3A_60 {strides = array<i32>} : memref<1x1024x64xf32, #tpu.memory_space<vmem>>, vector<1x1024x64xf32>,
    return
  }
  func.func @transform_0(%arg0: i32) -> (i32, i32, i32) {
    %c0_i32 = arith.constant 0 : i32
    %c0_i32_0 = arith.constant 0 : i32
    %c0_i32_1 = arith.constant 0 : i32
    return %arg0, %c0_i32, %c0_i32_0 : i32, i32, i32
  }
  func.func @transform_1(%arg0: i32) -> (i32, i32, i32) {
    %c0_i32 = arith.constant 0 : i32
    %c0_i32_0 = arith.constant 0 : i32
    %c0_i32_1 = arith.constant 0 : i32
    return %arg0, %c0_i32, %c0_i32_0 : i32, i32, i32
  }
  func.func @transform_2(%arg0: i32) -> i32 {
    %c0_i32 = arith.constant 0 : i32
    return %arg0 : i32
  }
  func.func @transform_3(%arg0: i32) -> (i32, i32) {
    %c0_i32 = arith.constant 0 : i32
    %c0_i32_0 = arith.constant 0 : i32
    %c0_i32_1 = arith.constant 0 : i32
    return %c0_i32, %c0_i32_0 : i32, i32
  }
  func.func @transform_4(%arg0: i32) -> (i32, i32) {
    %c0_i32 = arith.constant 0 : i32
    %c0_i32_0 = arith.constant 0 : i32
    %c0_i32_1 = arith.constant 0 : i32
    return %c0_i32, %c0_i32_0 : i32, i32
  }
  func.func @transform_5(%arg0: i32) -> (i32, i32) {
    %c0_i32 = arith.constant 0 : i32
    %c0_i32_0 = arith.constant 0 : i32
    %c0_i32_1 = arith.constant 0 : i32
    return %c0_i32, %c0_i32_0 : i32, i32
  }
  func.func @transform_6(%arg0: i32) -> (i32, i32) {
    %c0_i32 = arith.constant 0 : i32
    %c0_i32_0 = arith.constant 0 : i32
    %c0_i32_1 = arith.constant 0 : i32
    return %c0_i32, %c0_i32_0 : i32, i32
  }
  func.func @transform_7(%arg0: i32) -> (i32, i32) {
    %c0_i32 = arith.constant 0 : i32
    %c0_i32_0 = arith.constant 0 : i32
    %c0_i32_1 = arith.constant 0 : i32
    return %c0_i32, %c0_i32_0 : i32, i32
  }
  func.func @transform_8(%arg0: i32) -> (i32, i32) {
    %c0_i32 = arith.constant 0 : i32
    %c0_i32_0 = arith.constant 0 : i32
    %c0_i32_1 = arith.constant 0 : i32
    return %c0_i32, %c0_i32_0 : i32, i32
  }
  func.func @transform_9(%arg0: i32) -> (i32, i32) {
    %c0_i32 = arith.constant 0 : i32
    %c0_i32_0 = arith.constant 0 : i32
    %c0_i32_1 = arith.constant 0 : i32
    return %c0_i32, %c0_i32_0 : i32, i32
  }
  func.func @transform_10(%arg0: i32) -> (i32, i32, i32) {
    %c0_i32 = arith.constant 0 : i32
    %c0_i32_0 = arith.constant 0 : i32
    %c0_i32_1 = arith.constant 0 : i32
    return %arg0, %c0_i32, %c0_i32_0 : i32, i32, i32
  }
}

</mosaic_0001>

<sc_bundles>
// kernel: kernel.5.cloned.1.call-start
scs
__scs_entry_jumppad:
0x0: {  	(pc) =	sbr.rel $0x88, $3  }
0x1: {  	(tag) =	ssettag $0x0;
	lr =	simm.s32 $0x1  }
0x2: {  	[smem:$0x3F8F] =	sst lr;
	_ =	strace $0xD0000000  }
0x3: {  	_ = 	snop  }
0x4: {  	_ = 	snop  }
0x5: {  	_ = 	snop  }
0x6: {  	_ = 	snop  }
0x7: {  	_ = 	snop  }
__scs_overlays_trampoline_lowered:
0x8: {  	[smem:$0x3F9E] =	sst s0  }
0x9: {  	[smem:$0x3F9F] =	sst s1  }
0xa: {  	[smem:$0x3FA0] =	sst s2  }
0xb: {  	[smem:$0x3FA1] =	sst s3  }
0xc: {  	[smem:$0x3FA2] =	sst s4  }
0xd: {  	[smem:$0x3FA3] =	sst s5  }
0xe: {  	[smem:$0x3FA4] =	sst s6  }
0xf: {  	[smem:$0x3FA5] =	sst s7  }
0x10: {  	[smem:$0x3FA6] =	sst s8  }
0x11: {  	[smem:$0x3FA7] =	sst s9;
	s0 =	simm.s32 @!p0 $0x0  }
0x12: {  	s1 =	sld [smem:$0x3F8D];
	s0 =	simm.s32 @p0 $0x1  }
0x13: {  	[smem:$0x3FA8] =	sst s0;
	s0 =	simm.s32 @!p1 $0x0  }
0x14: {  	s2 =	sld [smem:$0x3F8C];
	s0 =	simm.s32 @p1 $0x1  }
0x15: {  	[smem:$0x3FA9] =	sst s0;
	s0 =	simm.s32 @!p2 $0x0  }
0x16: {  	s3 =	sld [smem:$0x3FDB];
	s0 =	simm.s32 @p2 $0x1  }
0x17: {  	s4 =	simm.s32 $0x1BF5;
	[smem:$0x3FAB] =	sst s0  }
0x18: {  	s0 =	sld [smem:$0x3F8E];
	_ =	swait.ge [sflag:s4], $0x0  }
0x19: {  	s7 =	sld [smem:$0x3F8F]  }
0x1a: {  	s8 =	sadd.s32 $0xFFFFE003, lr  }
0x1b: {  	s9 =	sadd.s32 $0xFFFFFEF7, lr;
	s5 =	simm.s32 $0xFFFFFFFF;
	p2 =	slt.u32 s8, $0xFFFFF086  }
0x1c: {  	p1 =	slt.u32 s9, $0xF7A;
	s5 =	simm.s32 @!p2 $0x0  }
0x1d: {  	s5 =	simm.s32 @p1 $0x1;
	p0 =	seq.s32 s7, s2  }
0x1e: {  	s7 =	smul.u32 @!p0 $0xF7A, s2;
	p2 =	seq.s32 @!p0 s5, $0x0  }
0x1f: {  	s9 =	smul.u32 $0xF7A, s1;
	s8 =	simm.s32 @!p0 $0x1BF5;
	p2 =	por !p2, p0  }
0x20: {  	[sflag:s8] =	ssyncset.s32 @!p0 $0xFFFFF086;
	s6 =	sadd.s32 @!p0 s3, s7;
	s7 =	simm.s32 @!p0 $0x108  }
0x21: {  	s3 =	sadd.s32 s3, s9;
	s6 =	sadd.s32 @!p0 $0x88, s6;
	s7 =	simm.s32 @p2 $0x1082  }
0x22: {  	[simem:s7], [sflag:s8] =	dma.local @!p0 [hbm:s6], $0xF7A  }
0x23: {  	s9 =	sor.u32 $0xD0000000, s2;
	s6 =	simm.s32 $0x108;
	_ =	swait.ge @!p0 [sflag:s8], $0x0  }
0x24: {  	s3 =	sadd.s32 $0x88, s3;
	s6 =	simm.s32 @!p1 $0x1082;
	[sflag:s4] =	ssyncset.s32 $0xFFFFF086  }
0x25: {  	[simem:s6], [sflag:s4] =	dma.local [hbm:s3], $0xF7A  }
0x26: {  	[smem:$0x3F8F] =	sst s1;
	(tag) =	ssettag s2;
	_ =	strace s9  }
0x27: {  	s1 =	sld [smem:$0x3F9F]  }
0x28: {  	s2 =	sld [smem:$0x3FA0]  }
0x29: {  	s4 =	sld [smem:$0x3FA2]  }
0x2a: {  	p0 =	seq.s32 s5, $0x0;
	s5 =	sld [smem:$0x3FA3]  }
0x2b: {  	s6 =	sld [smem:$0x3FA4]  }
0x2c: {  	s7 =	sld [smem:$0x3FA5]  }
0x2d: {  	s3 =	simm.s32 $0x108;
	s8 =	sld [smem:$0x3FA6]  }
0x2e: {  	s3 =	simm.s32 @!p0 $0x1082;
	s9 =	sld [smem:$0x3FA7]  }
0x2f: {  	lr =	sadd.s32 s0, s3;
	s0 =	sld [smem:$0x3F9E]  }
0x30: {  	s3 =	sld [smem:$0x3FA1]  }
0x31: {  	[smem:$0x3FAA] =	sst s10  }
0x32: {  	s10 =	sld [smem:$0x3FA8];
	_ =	sdelay $0x3  }
0x33: {  	p0 =	seq.s32 s10, $0x1;
	s10 =	sld [smem:$0x3FAA];
	_ =	sdelay $0x3  }
0x34: {  	[smem:$0x3FAA] =	sst s10  }
0x35: {  	s10 =	sld [smem:$0x3FA9];
	_ =	sdelay $0x3  }
0x36: {  	p1 =	seq.s32 s10, $0x1;
	s10 =	sld [smem:$0x3FAA];
	_ =	sdelay $0x3  }
0x37: {  	[smem:$0x3FAA] =	sst s10  }
0x38: {  	s10 =	sld [smem:$0x3FAB]  }
0x39: {  	_ = 	snop;
	(pc) =	sbr.ind lr, $3  }
0x3a: {  	_ = 	snop  }
0x3b: {  	_ = 	snop  }
0x3c: {  	p2 =	seq.s32 s10, $0x1;
	s10 =	sld [smem:$0x3FAA]  }
0x3d: {  	_ =	shalt  }
0x3e: {  	_ =	shalt  }
0x3f: {  	_ =	shalt  }
0x40: {  	_ =	shalt  }
0x41: {  	_ =	shalt  }
0x42: {  	_ =	shalt  }
0x43: {  	_ =	shalt  }
0x44: {  	_ =	shalt  }
0x45: {  	_ =	shalt  }
0x46: {  	_ =	shalt  }
0x47: {  	_ =	shalt  }
0x48: {  	_ =	shalt  }
0x49: {  	_ =	shalt  }
0x4a: {  	_ =	shalt  }
0x4b: {  	_ =	shalt  }
0x4c: {  	_ =	shalt  }
0x4d: {  	_ =	shalt  }
0x4e: {  	_ =	shalt  }
0x4f: {  	_ =	shalt  }
0x50: {  	_ =	shalt  }
0x51: {  	_ =	shalt  }
0x52: {  	_ =	shalt  }
0x53: {  	_ =	shalt  }
0x54: {  	_ =	shalt  }
0x55: {  	_ =	shalt  }
0x56: {  	_ =	shalt  }
0x57: {  	_ =	shalt  }
0x58: {  	_ =	shalt  }
0x59: {  	_ =	shalt  }
0x5a: {  	_ =	shalt  }
0x5b: {  	_ =	shalt  }
0x5c: {  	_ =	shalt  }
0x5d: {  	_ =	shalt  }
0x5e: {  	_ =	shalt  }
0x5f: {  	_ =	shalt  }
0x60: {  	_ =	shalt  }
0x61: {  	_ =	shalt  }
0x62: {  	_ =	shalt  }
0x63: {  	_ =	shalt  }
0x64: {  	_ =	shalt  }
0x65: {  	_ =	shalt  }
0x66: {  	_ =	shalt  }
0x67: {  	_ =	shalt  }
0x68: {  	_ =	shalt  }
0x69: {  	_ =	shalt  }
0x6a: {  	_ =	shalt  }
0x6b: {  	_ =	shalt  }
0x6c: {  	_ =	shalt  }
0x6d: {  	_ =	shalt  }
0x6e: {  	_ =	shalt  }
0x6f: {  	_ =	shalt  }
0x70: {  	_ =	shalt  }
0x71: {  	_ =	shalt  }
0x72: {  	_ =	shalt  }
0x73: {  	_ =	shalt  }
0x74: {  	_ =	shalt  }
0x75: {  	_ =	shalt  }
0x76: {  	_ =	shalt  }
0x77: {  	_ =	shalt  }
0x78: {  	_ =	shalt  }
0x79: {  	_ =	shalt  }
0x7a: {  	_ =	shalt  }
0x7b: {  	_ =	shalt  }
0x7c: {  	_ =	shalt  }
0x7d: {  	_ =	shalt  }
0x7e: {  	_ =	shalt  }
0x7f: {  	_ =	shalt  }
0x80: {  	_ =	shalt  }
0x81: {  	_ =	shalt  }
0x82: {  	_ =	shalt  }
0x83: {  	_ =	shalt  }
0x84: {  	_ =	shalt  }
0x85: {  	_ =	shalt  }
0x86: {  	_ =	shalt  }
0x87: {  	_ =	shalt  }
.Lfunc_end0:
.L_simem_size_0:
called_computation_lowered:
.L_overlay_start_0:
0x88: {  	s2 =	sld [smem:$0x3FD9]  }
0x89: {  	s3 =	sld [smem:$0x3FFE];
	_ =	sdelay $0x1  }
0x8a: {  	s1 =	srdreg.scid  }
0x8b: {  	s0 =	sand.u32 $0x1, s1  }
0x8c: {  	s17 =	sshll.u32 s0, $0xA;
	s2 =	sadd.s32 s3, s2  }
0x8d: {  	s2 =	sadd.s32 s2, s17  }
0x8e: {  	[smem:$0x3FB6] =	sst s2  }
0x8f: {  	_ = 	snop  }
0x90: {  	s2 =	sld [smem:$0x3FD0];
	(tm) =	ssettm $0x1  }
0x91: {  	s18 =	sld [smem:$0x3FFB];
	_ =	sdelay $0x3  }
0x92: {  	_ =	strace s18  }
0x93: {  	s3 =	sld [smem:$0x3FFC];
	_ =	sdelay $0x3  }
0x94: {  	_ =	strace s3  }
0x95: {  	s3 =	sld [smem:$0x3FFD];
	_ =	sdelay $0x3  }
0x96: {  	_ =	strace s3  }
0x97: {  	_ =	strace $0x8FFFFFFF  }
0x98: {  	s19 =	sld [smem:$0x3FDB];
	_ =	sdelay $0x1  }
0x99: {  	s4 =	simm.s32 $_scs_section_size  }
0x9a: {  	s5 =	simm.s32 $_size__tile_overlayer_lowered;
	s6 =	simm.s32 $_tile_overlayer_lowered  }
0x9b: {  	s22 =	simm.s32 $0x1BFF;
	s21 =	sshll.u32 s6, $0x1;
	s3 =	sadd.s32 s4, s19  }
0x9c: {  	s7 =	simm.s32 $0x0;
	s20 =	sshll.u32 s5, $0x1;
	s5 =	sadd.s32 s21, s3  }
0x9d: {  	[timem:s7], [sflag:s22] =	dma.local [hbm:s5], s20  }
0x9e: {  	_ =	swait.ge [sflag:s22], s20  }
0x9f: {  	s4 =	ssub.s32 $0x0, s20;
	[sflag:s22] =	ssyncset.done $0x0  }
0xa0: {  	[sflag:s22] =	ssyncadd.s32 s4;
	_ =	sdelay $0x1  }
0xa1: {  	s23 =	simm.s32 $0x1B8B  }
0xa2: {  	_ =	swait.ge [sflag:s23], $0x1  }
0xa3: {  	[sflag:s23] =	ssyncset.done $0x0  }
0xa4: {  	s25 =	simm.s32 $0x1B8E;
	s24 =	sld [smem:$0x3FFE];
	[sflag:s23] =	ssyncadd.s32 $0xFFFFFFFF  }
0xa5: {  	s26 =	simm.s32 $execute0_lowered;
	[smem:$0x3FD2] =	sst s25  }
0xa6: {  	s5 =	sshll.u32 s26, $0x1;
	_ =	strace $0x80000046;
	[dreg:$0x1] =	wrdreg $0xFFFFFFFF  }
0xa7: {  	s28 =	simm.s32 $_size_execute0_lowered;
	s3 =	sadd.s32 s3, s5;
	[dreg:$0x0] =	wrdreg $0x0  }
0xa8: {  	s5 =	sshll.u32 s28, $0x1;
	[dreg:$0x2] =	wrdreg s3  }
0xa9: {  	[dreg:$0x3] =	wrdreg s5  }
0xaa: {  	[dreg:$0x4] =	wrdreg $0xC0  }
0xab: {  	_ =	task [dreg:s7], $0x5FFFF  }
0xac: {  	[dreg:$0x1] =	wrdreg $0xFFFFFFFF  }
0xad: {  	[dreg:$0x0] =	wrdreg $0x60  }
0xae: {  	[dreg:$0x2] =	wrdreg s24  }
0xaf: {  	[dreg:$0x3] =	wrdreg s2  }
0xb0: {  	[dreg:$0x4] =	wrdreg $0x0  }
0xb1: {  	[dreg:$0x5] =	wrdreg $0x9  }
0xb2: {  	_ =	task.clear_ibuf [dreg:s7], $0x6FFFF;
	_ =	strace $0x90000046  }
0xb3: {  	s29 =	simm.s32 $0x9;
	_ =	strace $0x80000048  }
0xb4: {  	_ =	swait.ge [sflag:s29], $0x1  }
0xb5: {  	[sflag:s29] =	ssyncadd.s32 $0xFFFFFFFF  }
0xb6: {  	_ =	strace $0x90000048  }
0xb7: {  	_ =	sfence  }
0xb8: {  	s30 =	sld [smem:$0x0];
	_ =	sdelay $0x2  }
0xb9: {  	s31 =	sshll.u32 s1, $0xD;
	s1 =	sshrl.u32 s1, $0x2  }
0xba: {  	s3 =	sand.u32 $0x4000, s31;
	s1 =	sadd.s32 s1, s30  }
0xbb: {  	s0 =	sor.u32 s3, s0;
	s1 =	sshll.u32 s1, $0x11  }
0xbc: {  	s0 =	sor.u32 s1, s0  }
0xbd: {  	s0 =	sadd.s32 $0x8F2B, s0  }
0xbe: {  	[sflag:s0] =	ssyncadd.remote.s32 $0x1  }
0xbf: {  	_ =	sfence.sel $0xFFFF  }
0xc0: {  	[dreg:$0x0] =	wrdreg $0xFFFFFFFF;
	(pc) =	sbr.abs _section_cstart, $3  }
0xc1: {  	[dreg:$0x1] =	wrdreg $0xFFFFFFFF  }
0xc2: {  	_ =	task.clear_ibuf [dreg:s7], $0x2FFFF;
	_ =	strace $0x9FFFFFFF  }
0xc3: {  	(tm) =	ssettm $0x7FFFFFFF  }
tec
execute0_lowered:
.L_overlay_start_1:
0x0: {  	(tag) =	ssettag $0x1  }
0x1: {  	s4 =	rddreg [dreg:$0x0]  }
0x2: {  	s15 =	rddreg [dreg:$0x1]  }
0x3: {  	s2 =	rddreg [dreg:$0x2]  }
0x4: {  	s0 =	rddreg [dreg:$0x3];
	s3 =	simm.s32 $0x0  }
0x5: {  	s19 =	srdreg.scid;
	p2 =	por $0x0, $0x0;
	[smem:$0x7FF] =	sst s3  }
0x6: {  	s1 =	sadd.s32 $0x8400, s4;
	s5 =	sadd.s32 $0x8800, s4;
	s28 =	sadd.s32 $0x8A00, s4  }
0x7: {  	s29 =	sadd.s32 $0x68A00, s4;
	_ =	strace $0x80000047;
	[dreg:$0x4] =	wrdreg s1  }
0x8: {  	s31 =	sadd.s32 $0x5400, s4;
	s12 =	sadd.s32 $0x2400, s4;
	[dreg:$0x5] =	wrdreg s5  }
0x9: {  	s7 =	sand.u32 $0x1, s19;
	s4 =	simm.s32 $0x1;
	[dreg:$0x6] =	wrdreg s28  }
0xa: {  	s1 =	stileid.u32;
	[dreg:$0x7] =	wrdreg s29;
	s5 =	ssub.s32 $0x2, s7  }
0xb: {  	p1 =	seq.s32 s7, $0x0;
	p0 =	sne.s32 s7, $0x0;
	s7 =	simm.s32 $0x800  }
0xc: {  	s6 =	sshll.u32 s1, $0x10;
	s14 =	sshll.u32 s1, $0x8;
	s8 =	sshrl.u32 s5, $0x1  }
0xd: {  	s13 =	sshll.u32 s1, $0xD;
	s9 =	sadd.s32 s6, s2;
	s24 =	sadd.s32 s31, s14  }
0xe: {  	s8 =	ssub.s32 s5, s8;
	s25 =	sor.u32 $0x1000, s14;
	s26 =	sadd.s32 s14, s15  }
0xf: {  	s28 =	sor.u32 $0x2000, s14;
	s30 =	sadd.s32 $0x2000, s9;
	[dreg:$0xf] =	wrdreg s24  }
0x10: {  	s6 =	simm.s32 $0x10000;
	s17 =	sadd.s32 $0x4000, s9;
	[dreg:$0x8] =	wrdreg s30  }
0x11: {  	s18 =	sadd.s32 $0x6000, s9;
	s20 =	sadd.s32 $0x8000, s9;
	[dreg:$0x9] =	wrdreg s17  }
0x12: {  	s21 =	sadd.s32 $0xA000, s9;
	s22 =	sadd.s32 $0xC000, s9;
	[dreg:$0xa] =	wrdreg s18  }
0x13: {  	s23 =	sadd.s32 $0xE000, s9;
	s10 =	sadd.s32 s31, s25;
	[dreg:$0xb] =	wrdreg s20  }
0x14: {  	s16 =	sadd.s32 $0x1000, s26;
	[dreg:$0xc] =	wrdreg s21;
	s18 =	smax.u32 s8, $0x1  }
0x15: {  	s11 =	sadd.s32 s12, s25;
	[dreg:$0xd] =	wrdreg s22;
	s25 =	sadd.s32 $0xFFFFFFFF, s18  }
0x16: {  	s29 =	sadd.s32 s31, s28;
	[dreg:$0xe] =	wrdreg s23;
	p3 =	sne.s32 s25, $0x0  }
.Ltmp0:
0x17: {  	s5 =	sadd.s32 s12, s28;
	[dreg:$0x10] =	wrdreg s10;
	(pc) =	sbr.rel @!p3 .LBB2_3-.Ltmp0, $4  }
0x18: {  	s31 =	sor.u32 $0x40000, s13;
	s12 =	smov.u32 @p0 s15;
	[dreg:$0x11] =	wrdreg s29  }
0x19: {  	s17 =	sadd.s32 $0x2000, s26;
	s30 =	sor.u32 $0x20000, s13;
	[dreg:$0x13] =	wrdreg s31  }
0x1a: {  	s10 =	simm.s32 $0x11000;
	s8 =	simm.s32 $0x10800;
	s26 =	rddreg [dreg:$0x4]  }
0x1b: {  	s11 =	smov.u32 @p0 s16;
	[dreg:$0x12] =	wrdreg s30;
	s5 =	smov.u32 @p0 s17  }
0x1c: {  	[tilespmem:s10], [sflag:$0x1] =	stream.linear.gather [hbm4b:s26+s3], $0x2000, $0x38;
	[tilespmem:$0x13000] =	vst v63  }
0x1d: {  	_ =	swait.ge [sflag:s4], $0x2000  }
0x1e: {  	s15 =	simm.s32 @!p1 $0x1;
	s16 =	simm.s32 @!p1 $0x0;
	[sflag:s4] =	ssyncset.done $0x0  }
0x1f: {  	s17 =	simm.s32 @!p1 $0x10800;
	s18 =	rddreg [dreg:$0x5];
	[sflag:s4] =	ssyncadd.s32 $0xFFFFE000  }
0x20: {  	[tilespmem:s17], [sflag:$0x1] =	stream.linear.gather @!p1 [hbm4b:s18+s16], $0x800, $0x38;
	[tilespmem:$0x13000] =	vst v63  }
0x21: {  	_ =	swait.ge @!p1 [sflag:s15], $0x800  }
0x22: {  	[sflag:s15] =	ssyncset.done @!p1 $0x0  }
0x23: {  	[sflag:s15] =	ssyncadd.s32 @!p1 $0xFFFFF800  }
0x24: {  	[spmem:s9] =	stream.linear.scatter [tilespmem:s10], [sflag:$0x1], $0x2000, $0x38;
	[tilespmem:$0x13000] =	vst v63  }
0x25: {  	_ =	swait.ge [sflag:s4], $0x2000  }
0x26: {  	[sflag:s4] =	ssyncset.done $0x0  }
0x27: {  	s20 =	rddreg [dreg:$0x8];
	[sflag:s4] =	ssyncadd.s32 $0xFFFFE000  }
0x28: {  	[spmem:s20] =	stream.linear.scatter [tilespmem:s10], [sflag:$0x1], $0x2000, $0x38;
	[tilespmem:$0x13000] =	vst v63  }
0x29: {  	_ =	swait.ge [sflag:s4], $0x2000  }
0x2a: {  	[sflag:s4] =	ssyncset.done $0x0  }
0x2b: {  	s21 =	rddreg [dreg:$0x9];
	[sflag:s4] =	ssyncadd.s32 $0xFFFFE000  }
0x2c: {  	[spmem:s21] =	stream.linear.scatter [tilespmem:s10], [sflag:$0x1], $0x2000, $0x38;
	[tilespmem:$0x13000] =	vst v63  }
0x2d: {  	_ =	swait.ge [sflag:s4], $0x2000  }
0x2e: {  	[sflag:s4] =	ssyncset.done $0x0  }
0x2f: {  	s22 =	rddreg [dreg:$0xa];
	[sflag:s4] =	ssyncadd.s32 $0xFFFFE000  }
0x30: {  	[spmem:s22] =	stream.linear.scatter [tilespmem:s10], [sflag:$0x1], $0x2000, $0x38;
	[tilespmem:$0x13000] =	vst v63  }
0x31: {  	_ =	swait.ge [sflag:s4], $0x2000  }
0x32: {  	[sflag:s4] =	ssyncset.done $0x0  }
0x33: {  	s23 =	rddreg [dreg:$0xb];
	[sflag:s4] =	ssyncadd.s32 $0xFFFFE000  }
0x34: {  	[spmem:s23] =	stream.linear.scatter [tilespmem:s10], [sflag:$0x1], $0x2000, $0x38;
	[tilespmem:$0x13000] =	vst v63  }
0x35: {  	_ =	swait.ge [sflag:s4], $0x2000  }
0x36: {  	[sflag:s4] =	ssyncset.done $0x0  }
0x37: {  	s24 =	rddreg [dreg:$0xc];
	[sflag:s4] =	ssyncadd.s32 $0xFFFFE000  }
0x38: {  	[spmem:s24] =	stream.linear.scatter [tilespmem:s10], [sflag:$0x1], $0x2000, $0x38;
	[tilespmem:$0x13000] =	vst v63  }
0x39: {  	_ =	swait.ge [sflag:s4], $0x2000  }
0x3a: {  	[sflag:s4] =	ssyncset.done $0x0  }
0x3b: {  	s26 =	rddreg [dreg:$0xd];
	[sflag:s4] =	ssyncadd.s32 $0xFFFFE000  }
0x3c: {  	[spmem:s26] =	stream.linear.scatter [tilespmem:s10], [sflag:$0x1], $0x2000, $0x38;
	[tilespmem:$0x13000] =	vst v63  }
0x3d: {  	_ =	swait.ge [sflag:s4], $0x2000  }
0x3e: {  	[sflag:s4] =	ssyncset.done $0x0  }
0x3f: {  	s28 =	rddreg [dreg:$0xe];
	[sflag:s4] =	ssyncadd.s32 $0xFFFFE000  }
0x40: {  	[spmem:s28] =	stream.linear.scatter [tilespmem:s10], [sflag:$0x1], $0x2000, $0x38;
	[tilespmem:$0x13000] =	vst v63  }
0x41: {  	_ =	swait.ge [sflag:s4], $0x2000  }
0x42: {  	[sflag:s4] =	ssyncset.done $0x0  }
0x43: {  	[sflag:s4] =	ssyncadd.s32 $0xFFFFE000  }
0x44: {  	s19 =	simm.s32 @!p0 $0x10000;
	[bflag:$0x0] =	sbarrier.arrive $0xFFFF  }
0x45: {  	s18 =	simm.s32 @!p0 $0x0;
	s20 =	simm.s32 @!p0 $0x1;
	s21 =	rddreg [dreg:$0xf]  }
0x46: {  	[tilespmem:s19], [sflag:$0x1] =	stream.linear.gather @!p0 [hbm4b:s21+s18], $0x800, $0x38;
	[tilespmem:$0x13000] =	vst v63  }
0x47: {  	_ =	swait.ge @!p0 [sflag:s20], $0x800  }
0x48: {  	s22 =	sadd.s32 s12, s14;
	s21 =	simm.s32 @!p0 $0x10800;
	[sflag:s20] =	ssyncset.done @!p0 $0x0  }
0x49: {  	s21 =	simm.s32 @p0 $0x10000;
	s24 =	rddreg [dreg:$0x7];
	[sflag:s20] =	ssyncadd.s32 @!p0 $0xFFFFF800  }
0x4a: {  	[tilespmem:s21], [sflag:$0x1] =	stream.linear.gather [hbm4b:s22+s3], $0x800, $0x38;
	[tilespmem:$0x13000] =	vst v63  }
0x4b: {  	s26 =	rddreg [dreg:$0x6];
	_ =	swait.ge [sflag:s4], $0x800  }
0x4c: {  	[sflag:s4] =	ssyncset.done $0x0  }
0x4d: {  	[sflag:s4] =	ssyncadd.s32 $0xFFFFF800  }
0x4e: {  	[spmem:s2] =	stream.indirect.scatter.add.f32 [tilespmem:s8], [sflag:$0x1], $0x1, s6, s7, $0xb8;
	[tilespmem:$0x13000] =	vst v63  }
0x4f: {  	_ =	swait.ge [sflag:s4], $0x800  }
0x50: {  	s29 =	sshll.u32 s1, $0x6;
	[sflag:s4] =	ssyncset.done $0x0  }
0x51: {  	s23 =	sshrl.u32 s9, $0x3;
	s26 =	smov.u32 @p0 s24;
	[sflag:s4] =	ssyncadd.s32 $0xFFFFF800  }
0x52: {  	s24 =	sor.u32 $0x1C01, s29;
	s28 =	sadd.s32 s26, s13;
	[bflag:$0x0] =	sbarrier.arrive $0xFFFF  }
0x53: {  	[hbm:s28], [sflag:s24] =	dma.local [spmem:s23], $0x2000  }
0x54: {  	_ =	swait.ge [sflag:s4], $0x2000  }
0x55: {  	[sflag:s4] =	ssyncset.done $0x0  }
0x56: {  	[sflag:s4] =	ssyncadd.s32 $0xFFFFE000  }
0x57: {  	[bflag:$0x0] =	sbarrier.arrive $0xFFFF  }
0x58: {  	[spmem:s2] =	stream.indirect.scatter [tilespmem:s10], [sflag:$0x1], $0x1, s6, s7, $0xb8;
	[tilespmem:$0x13000] =	vst v63  }
0x59: {  	_ =	swait.ge [sflag:s4], $0x800  }
0x5a: {  	[sflag:s4] =	ssyncset.done $0x0  }
0x5b: {  	[sflag:s4] =	ssyncadd.s32 $0xFFFFF800  }
0x5c: {  	[bflag:$0x0] =	sbarrier.arrive $0xFFFF  }
0x5d: {  	s28 =	rddreg [dreg:$0x10]  }
0x5e: {  	[tilespmem:s19], [sflag:$0x1] =	stream.linear.gather @!p0 [hbm4b:s28+s18], $0x800, $0x38;
	[tilespmem:$0x13000] =	vst v63  }
0x5f: {  	_ =	swait.ge @!p0 [sflag:s20], $0x800  }
0x60: {  	[sflag:s20] =	ssyncset.done @!p0 $0x0  }
0x61: {  	[sflag:s20] =	ssyncadd.s32 @!p0 $0xFFFFF800  }
0x62: {  	[tilespmem:s21], [sflag:$0x1] =	stream.linear.gather [hbm4b:s11+s3], $0x800, $0x38;
	[tilespmem:$0x13000] =	vst v63  }
0x63: {  	_ =	swait.ge [sflag:s4], $0x800  }
0x64: {  	[sflag:s4] =	ssyncset.done $0x0  }
0x65: {  	[sflag:s4] =	ssyncadd.s32 $0xFFFFF800  }
0x66: {  	[spmem:s2] =	stream.indirect.scatter.add.f32 [tilespmem:s8], [sflag:$0x1], $0x1, s6, s7, $0xb8;
	[tilespmem:$0x13000] =	vst v63  }
0x67: {  	_ =	swait.ge [sflag:s4], $0x800  }
0x68: {  	[sflag:s4] =	ssyncset.done $0x0  }
0x69: {  	[sflag:s4] =	ssyncadd.s32 $0xFFFFF800  }
0x6a: {  	[bflag:$0x0] =	sbarrier.arrive $0xFFFF  }
0x6b: {  	s30 =	rddreg [dreg:$0x12]  }
0x6c: {  	s28 =	sadd.s32 s30, s26  }
0x6d: {  	[hbm:s28], [sflag:s24] =	dma.local [spmem:s23], $0x2000  }
0x6e: {  	_ =	swait.ge [sflag:s4], $0x2000  }
0x6f: {  	[sflag:s4] =	ssyncset.done $0x0  }
0x70: {  	[sflag:s4] =	ssyncadd.s32 $0xFFFFE000  }
0x71: {  	[bflag:$0x0] =	sbarrier.arrive $0xFFFF  }
0x72: {  	[spmem:s2] =	stream.indirect.scatter [tilespmem:s10], [sflag:$0x1], $0x1, s6, s7, $0xb8;
	[tilespmem:$0x13000] =	vst v63  }
0x73: {  	_ =	swait.ge [sflag:s4], $0x800  }
0x74: {  	[sflag:s4] =	ssyncset.done $0x0  }
0x75: {  	[sflag:s4] =	ssyncadd.s32 $0xFFFFF800  }
0x76: {  	[bflag:$0x0] =	sbarrier.arrive $0xFFFF  }
0x77: {  	s28 =	rddreg [dreg:$0x11]  }
0x78: {  	[tilespmem:s19], [sflag:$0x1] =	stream.linear.gather @!p0 [hbm4b:s28+s18], $0x800, $0x38;
	[tilespmem:$0x13000] =	vst v63  }
0x79: {  	_ =	swait.ge @!p0 [sflag:s20], $0x800  }
0x7a: {  	[sflag:s20] =	ssyncset.done @!p0 $0x0  }
0x7b: {  	[sflag:s20] =	ssyncadd.s32 @!p0 $0xFFFFF800  }
0x7c: {  	[tilespmem:s21], [sflag:$0x1] =	stream.linear.gather [hbm4b:s5+s3], $0x800, $0x38;
	[tilespmem:$0x13000] =	vst v63  }
0x7d: {  	_ =	swait.ge [sflag:s4], $0x800  }
0x7e: {  	[sflag:s4] =	ssyncset.done $0x0  }
0x7f: {  	[sflag:s4] =	ssyncadd.s32 $0xFFFFF800  }
0x80: {  	[spmem:s2] =	stream.indirect.scatter.add.f32 [tilespmem:s8], [sflag:$0x1], $0x1, s6, s7, $0xb8;
	[tilespmem:$0x13000] =	vst v63  }
0x81: {  	_ =	swait.ge [sflag:s4], $0x800  }
0x82: {  	[sflag:s4] =	ssyncset.done $0x0  }
0x83: {  	s25 =	sadd.s32 $0xFFFFFFFF, s25;
	[sflag:s4] =	ssyncadd.s32 $0xFFFFF800  }
0x84: {  	p3 =	sne.s32 s25, $0x0;
	[bflag:$0x0] =	sbarrier.arrive $0xFFFF  }
.Ltmp1:
0x85: {  	s31 =	rddreg [dreg:$0x13];
	(pc) =	sbr.rel @!p3 .LBB2_3-.Ltmp1, $4  }
0x86: {  	s26 =	sadd.s32 s31, s26  }
0x87: {  	[hbm:s26], [sflag:s24] =	dma.local [spmem:s23], $0x2000  }
0x88: {  	_ =	swait.ge [sflag:s4], $0x2000  }
0x89: {  	p2 =	por $0x1, $0x1;
	s26 =	rddreg [dreg:$0x4];
	[sflag:s4] =	ssyncset.done $0x0  }
.LBB2_2:
0x8a: {  	[sflag:s4] =	ssyncadd.s32 $0xFFFFE000  }
0x8b: {  	[tilespmem:s10], [sflag:$0x1] =	stream.linear.gather [hbm4b:s26+s3], $0x2000, $0x38;
	[tilespmem:$0x13000] =	vst v63  }
0x8c: {  	_ =	swait.ge [sflag:s4], $0x2000  }
0x8d: {  	[sflag:s4] =	ssyncset.done $0x0  }
0x8e: {  	s26 =	rddreg [dreg:$0x5];
	[sflag:s4] =	ssyncadd.s32 $0xFFFFE000  }
0x8f: {  	[tilespmem:s17], [sflag:$0x1] =	stream.linear.gather @!p1 [hbm4b:s26+s16], $0x800, $0x38;
	[tilespmem:$0x13000] =	vst v63  }
0x90: {  	_ =	swait.ge @!p1 [sflag:s15], $0x800  }
0x91: {  	[sflag:s15] =	ssyncset.done @!p1 $0x0  }
0x92: {  	[sflag:s15] =	ssyncadd.s32 @!p1 $0xFFFFF800  }
0x93: {  	[spmem:s9] =	stream.linear.scatter [tilespmem:s10], [sflag:$0x1], $0x2000, $0x38;
	[tilespmem:$0x13000] =	vst v63  }
0x94: {  	_ =	swait.ge [sflag:s4], $0x2000  }
0x95: {  	[sflag:s4] =	ssyncset.done $0x0  }
0x96: {  	s31 =	rddreg [dreg:$0x8];
	[sflag:s4] =	ssyncadd.s32 $0xFFFFE000  }
0x97: {  	[spmem:s31] =	stream.linear.scatter [tilespmem:s10], [sflag:$0x1], $0x2000, $0x38;
	[tilespmem:$0x13000] =	vst v63  }
0x98: {  	_ =	swait.ge [sflag:s4], $0x2000  }
0x99: {  	[sflag:s4] =	ssyncset.done $0x0  }
0x9a: {  	s28 =	rddreg [dreg:$0x9];
	[sflag:s4] =	ssyncadd.s32 $0xFFFFE000  }
0x9b: {  	[spmem:s28] =	stream.linear.scatter [tilespmem:s10], [sflag:$0x1], $0x2000, $0x38;
	[tilespmem:$0x13000] =	vst v63  }
0x9c: {  	_ =	swait.ge [sflag:s4], $0x2000  }
0x9d: {  	[sflag:s4] =	ssyncset.done $0x0  }
0x9e: {  	s29 =	rddreg [dreg:$0xa];
	[sflag:s4] =	ssyncadd.s32 $0xFFFFE000  }
0x9f: {  	[spmem:s29] =	stream.linear.scatter [tilespmem:s10], [sflag:$0x1], $0x2000, $0x38;
	[tilespmem:$0x13000] =	vst v63  }
0xa0: {  	_ =	swait.ge [sflag:s4], $0x2000  }
0xa1: {  	[sflag:s4] =	ssyncset.done $0x0  }
0xa2: {  	s30 =	rddreg [dreg:$0xb];
	[sflag:s4] =	ssyncadd.s32 $0xFFFFE000  }
0xa3: {  	[spmem:s30] =	stream.linear.scatter [tilespmem:s10], [sflag:$0x1], $0x2000, $0x38;
	[tilespmem:$0x13000] =	vst v63  }
0xa4: {  	_ =	swait.ge [sflag:s4], $0x2000  }
0xa5: {  	[sflag:s4] =	ssyncset.done $0x0  }
0xa6: {  	s31 =	rddreg [dreg:$0xc];
	[sflag:s4] =	ssyncadd.s32 $0xFFFFE000  }
0xa7: {  	[spmem:s31] =	stream.linear.scatter [tilespmem:s10], [sflag:$0x1], $0x2000, $0x38;
	[tilespmem:$0x13000] =	vst v63  }
0xa8: {  	_ =	swait.ge [sflag:s4], $0x2000  }
0xa9: {  	[sflag:s4] =	ssyncset.done $0x0  }
0xaa: {  	s28 =	rddreg [dreg:$0xd];
	[sflag:s4] =	ssyncadd.s32 $0xFFFFE000  }
0xab: {  	[spmem:s28] =	stream.linear.scatter [tilespmem:s10], [sflag:$0x1], $0x2000, $0x38;
	[tilespmem:$0x13000] =	vst v63  }
0xac: {  	_ =	swait.ge [sflag:s4], $0x2000  }
0xad: {  	[sflag:s4] =	ssyncset.done $0x0  }
0xae: {  	s29 =	rddreg [dreg:$0xe];
	[sflag:s4] =	ssyncadd.s32 $0xFFFFE000  }
0xaf: {  	[spmem:s29] =	stream.linear.scatter [tilespmem:s10], [sflag:$0x1], $0x2000, $0x38;
	[tilespmem:$0x13000] =	vst v63  }
0xb0: {  	_ =	swait.ge [sflag:s4], $0x2000  }
0xb1: {  	[sflag:s4] =	ssyncset.done $0x0  }
0xb2: {  	[sflag:s4] =	ssyncadd.s32 $0xFFFFE000  }
0xb3: {  	[bflag:$0x0] =	sbarrier.arrive $0xFFFF  }
0xb4: {  	s26 =	rddreg [dreg:$0xf]  }
0xb5: {  	[tilespmem:s19], [sflag:$0x1] =	stream.linear.gather @!p0 [hbm4b:s26+s18], $0x800, $0x38;
	[tilespmem:$0x13000] =	vst v63  }
0xb6: {  	_ =	swait.ge @!p0 [sflag:s20], $0x800  }
0xb7: {  	[sflag:s20] =	ssyncset.done @!p0 $0x0  }
0xb8: {  	s28 =	rddreg [dreg:$0x7];
	[sflag:s20] =	ssyncadd.s32 @!p0 $0xFFFFF800  }
0xb9: {  	[tilespmem:s21], [sflag:$0x1] =	stream.linear.gather [hbm4b:s22+s3], $0x800, $0x38;
	[tilespmem:$0x13000] =	vst v63  }
0xba: {  	s26 =	rddreg [dreg:$0x6];
	_ =	swait.ge [sflag:s4], $0x800  }
0xbb: {  	[sflag:s4] =	ssyncset.done $0x0  }
0xbc: {  	[sflag:s4] =	ssyncadd.s32 $0xFFFFF800  }
0xbd: {  	[spmem:s2] =	stream.indirect.scatter.add.f32 [tilespmem:s8], [sflag:$0x1], $0x1, s6, s7, $0xb8;
	[tilespmem:$0x13000] =	vst v63  }
0xbe: {  	_ =	swait.ge [sflag:s4], $0x800  }
0xbf: {  	[sflag:s4] =	ssyncset.done $0x0  }
0xc0: {  	s26 =	smov.u32 @p0 s28;
	[sflag:s4] =	ssyncadd.s32 $0xFFFFF800  }
0xc1: {  	s28 =	sadd.s32 s26, s13;
	[bflag:$0x0] =	sbarrier.arrive $0xFFFF  }
0xc2: {  	[hbm:s28], [sflag:s24] =	dma.local [spmem:s23], $0x2000  }
0xc3: {  	_ =	swait.ge [sflag:s4], $0x2000  }
0xc4: {  	[sflag:s4] =	ssyncset.done $0x0  }
0xc5: {  	[sflag:s4] =	ssyncadd.s32 $0xFFFFE000  }
0xc6: {  	[bflag:$0x0] =	sbarrier.arrive $0xFFFF  }
0xc7: {  	[spmem:s2] =	stream.indirect.scatter [tilespmem:s10], [sflag:$0x1], $0x1, s6, s7, $0xb8;
	[tilespmem:$0x13000] =	vst v63  }
0xc8: {  	_ =	swait.ge [sflag:s4], $0x800  }
0xc9: {  	[sflag:s4] =	ssyncset.done $0x0  }
0xca: {  	[sflag:s4] =	ssyncadd.s32 $0xFFFFF800  }
0xcb: {  	[bflag:$0x0] =	sbarrier.arrive $0xFFFF  }
0xcc: {  	s28 =	rddreg [dreg:$0x10]  }
0xcd: {  	[tilespmem:s19], [sflag:$0x1] =	stream.linear.gather @!p0 [hbm4b:s28+s18], $0x800, $0x38;
	[tilespmem:$0x13000] =	vst v63  }
0xce: {  	_ =	swait.ge @!p0 [sflag:s20], $0x800  }
0xcf: {  	[sflag:s20] =	ssyncset.done @!p0 $0x0  }
0xd0: {  	[sflag:s20] =	ssyncadd.s32 @!p0 $0xFFFFF800  }
0xd1: {  	[tilespmem:s21], [sflag:$0x1] =	stream.linear.gather [hbm4b:s11+s3], $0x800, $0x38;
	[tilespmem:$0x13000] =	vst v63  }
0xd2: {  	_ =	swait.ge [sflag:s4], $0x800  }
0xd3: {  	[sflag:s4] =	ssyncset.done $0x0  }
0xd4: {  	[sflag:s4] =	ssyncadd.s32 $0xFFFFF800  }
0xd5: {  	[spmem:s2] =	stream.indirect.scatter.add.f32 [tilespmem:s8], [sflag:$0x1], $0x1, s6, s7, $0xb8;
	[tilespmem:$0x13000] =	vst v63  }
0xd6: {  	_ =	swait.ge [sflag:s4], $0x800  }
0xd7: {  	[sflag:s4] =	ssyncset.done $0x0  }
0xd8: {  	[sflag:s4] =	ssyncadd.s32 $0xFFFFF800  }
0xd9: {  	[bflag:$0x0] =	sbarrier.arrive $0xFFFF  }
0xda: {  	s30 =	rddreg [dreg:$0x12]  }
0xdb: {  	s28 =	sadd.s32 s30, s26  }
0xdc: {  	[hbm:s28], [sflag:s24] =	dma.local [spmem:s23], $0x2000  }
0xdd: {  	_ =	swait.ge [sflag:s4], $0x2000  }
0xde: {  	[sflag:s4] =	ssyncset.done $0x0  }
0xdf: {  	[sflag:s4] =	ssyncadd.s32 $0xFFFFE000  }
0xe0: {  	[bflag:$0x0] =	sbarrier.arrive $0xFFFF  }
0xe1: {  	[spmem:s2] =	stream.indirect.scatter [tilespmem:s10], [sflag:$0x1], $0x1, s6, s7, $0xb8;
	[tilespmem:$0x13000] =	vst v63  }
0xe2: {  	_ =	swait.ge [sflag:s4], $0x800  }
0xe3: {  	[sflag:s4] =	ssyncset.done $0x0  }
0xe4: {  	[sflag:s4] =	ssyncadd.s32 $0xFFFFF800  }
0xe5: {  	[bflag:$0x0] =	sbarrier.arrive $0xFFFF  }
0xe6: {  	s28 =	rddreg [dreg:$0x11]  }
0xe7: {  	[tilespmem:s19], [sflag:$0x1] =	stream.linear.gather @!p0 [hbm4b:s28+s18], $0x800, $0x38;
	[tilespmem:$0x13000] =	vst v63  }
0xe8: {  	_ =	swait.ge @!p0 [sflag:s20], $0x800  }
0xe9: {  	[sflag:s20] =	ssyncset.done @!p0 $0x0  }
0xea: {  	[sflag:s20] =	ssyncadd.s32 @!p0 $0xFFFFF800  }
0xeb: {  	[tilespmem:s21], [sflag:$0x1] =	stream.linear.gather [hbm4b:s5+s3], $0x800, $0x38;
	[tilespmem:$0x13000] =	vst v63  }
0xec: {  	_ =	swait.ge [sflag:s4], $0x800  }
0xed: {  	[sflag:s4] =	ssyncset.done $0x0  }
0xee: {  	[sflag:s4] =	ssyncadd.s32 $0xFFFFF800  }
0xef: {  	[spmem:s2] =	stream.indirect.scatter.add.f32 [tilespmem:s8], [sflag:$0x1], $0x1, s6, s7, $0xb8;
	[tilespmem:$0x13000] =	vst v63  }
0xf0: {  	_ =	swait.ge [sflag:s4], $0x800  }
0xf1: {  	[sflag:s4] =	ssyncset.done $0x0  }
0xf2: {  	s25 =	sadd.s32 $0xFFFFFFFF, s25;
	[sflag:s4] =	ssyncadd.s32 $0xFFFFF800  }
0xf3: {  	p3 =	sne.s32 s25, $0x0;
	[bflag:$0x0] =	sbarrier.arrive $0xFFFF  }
.Ltmp2:
0xf4: {  	s31 =	rddreg [dreg:$0x13];
	(pc) =	sbr.rel @p3 .LBB2_2-.Ltmp2, $4  }
0xf5: {  	s26 =	sadd.s32 s31, s26  }
0xf6: {  	[hbm:s26], [sflag:s24] =	dma.local [spmem:s23], $0x2000  }
0xf7: {  	_ =	swait.ge [sflag:s4], $0x2000  }
0xf8: {  	s26 =	rddreg [dreg:$0x4];
	[sflag:s4] =	ssyncset.done $0x0  }
.LBB2_3:
0xf9: {  	[sflag:s4] =	ssyncadd.s32 @p2 $0xFFFFE000  }
0xfa: {  	[tilespmem:s10], [sflag:$0x1] =	stream.linear.gather [hbm4b:s26+s3], $0x2000, $0x38;
	[tilespmem:$0x13000] =	vst v63  }
0xfb: {  	_ =	swait.ge [sflag:s4], $0x2000  }
0xfc: {  	s16 =	simm.s32 @!p1 $0x1;
	s17 =	simm.s32 @!p1 $0x0;
	[sflag:s4] =	ssyncset.done $0x0  }
0xfd: {  	s18 =	simm.s32 @!p1 $0x10800;
	s15 =	rddreg [dreg:$0x5];
	[sflag:s4] =	ssyncadd.s32 $0xFFFFE000  }
0xfe: {  	[tilespmem:s18], [sflag:$0x1] =	stream.linear.gather @!p1 [hbm4b:s15+s17], $0x800, $0x38;
	[tilespmem:$0x13000] =	vst v63  }
0xff: {  	_ =	swait.ge @!p1 [sflag:s16], $0x800  }
0x100: {  	[sflag:s16] =	ssyncset.done @!p1 $0x0  }
0x101: {  	[sflag:s16] =	ssyncadd.s32 @!p1 $0xFFFFF800  }
0x102: {  	[spmem:s9] =	stream.linear.scatter [tilespmem:s10], [sflag:$0x1], $0x2000, $0x38;
	[tilespmem:$0x13000] =	vst v63  }
0x103: {  	_ =	swait.ge [sflag:s4], $0x2000  }
0x104: {  	[sflag:s4] =	ssyncset.done $0x0  }
0x105: {  	s20 =	rddreg [dreg:$0x8];
	[sflag:s4] =	ssyncadd.s32 $0xFFFFE000  }
0x106: {  	[spmem:s20] =	stream.linear.scatter [tilespmem:s10], [sflag:$0x1], $0x2000, $0x38;
	[tilespmem:$0x13000] =	vst v63  }
0x107: {  	_ =	swait.ge [sflag:s4], $0x2000  }
0x108: {  	[sflag:s4] =	ssyncset.done $0x0  }
0x109: {  	s21 =	rddreg [dreg:$0x9];
	[sflag:s4] =	ssyncadd.s32 $0xFFFFE000  }
0x10a: {  	[spmem:s21] =	stream.linear.scatter [tilespmem:s10], [sflag:$0x1], $0x2000, $0x38;
	[tilespmem:$0x13000] =	vst v63  }
0x10b: {  	_ =	swait.ge [sflag:s4], $0x2000  }
0x10c: {  	[sflag:s4] =	ssyncset.done $0x0  }
0x10d: {  	s22 =	rddreg [dreg:$0xa];
	[sflag:s4] =	ssyncadd.s32 $0xFFFFE000  }
0x10e: {  	[spmem:s22] =	stream.linear.scatter [tilespmem:s10], [sflag:$0x1], $0x2000, $0x38;
	[tilespmem:$0x13000] =	vst v63  }
0x10f: {  	_ =	swait.ge [sflag:s4], $0x2000  }
0x110: {  	[sflag:s4] =	ssyncset.done $0x0  }
0x111: {  	s23 =	rddreg [dreg:$0xb];
	[sflag:s4] =	ssyncadd.s32 $0xFFFFE000  }
0x112: {  	[spmem:s23] =	stream.linear.scatter [tilespmem:s10], [sflag:$0x1], $0x2000, $0x38;
	[tilespmem:$0x13000] =	vst v63  }
0x113: {  	_ =	swait.ge [sflag:s4], $0x2000  }
0x114: {  	[sflag:s4] =	ssyncset.done $0x0  }
0x115: {  	s24 =	rddreg [dreg:$0xc];
	[sflag:s4] =	ssyncadd.s32 $0xFFFFE000  }
0x116: {  	[spmem:s24] =	stream.linear.scatter [tilespmem:s10], [sflag:$0x1], $0x2000, $0x38;
	[tilespmem:$0x13000] =	vst v63  }
0x117: {  	_ =	swait.ge [sflag:s4], $0x2000  }
0x118: {  	[sflag:s4] =	ssyncset.done $0x0  }
0x119: {  	s25 =	rddreg [dreg:$0xd];
	[sflag:s4] =	ssyncadd.s32 $0xFFFFE000  }
0x11a: {  	[spmem:s25] =	stream.linear.scatter [tilespmem:s10], [sflag:$0x1], $0x2000, $0x38;
	[tilespmem:$0x13000] =	vst v63  }
0x11b: {  	_ =	swait.ge [sflag:s4], $0x2000  }
0x11c: {  	[sflag:s4] =	ssyncset.done $0x0  }
0x11d: {  	s26 =	rddreg [dreg:$0xe];
	[sflag:s4] =	ssyncadd.s32 $0xFFFFE000  }
0x11e: {  	[spmem:s26] =	stream.linear.scatter [tilespmem:s10], [sflag:$0x1], $0x2000, $0x38;
	[tilespmem:$0x13000] =	vst v63  }
0x11f: {  	_ =	swait.ge [sflag:s4], $0x2000  }
0x120: {  	[sflag:s4] =	ssyncset.done $0x0  }
0x121: {  	[sflag:s4] =	ssyncadd.s32 $0xFFFFE000  }
0x122: {  	s18 =	simm.s32 @!p0 $0x10000;
	[bflag:$0x0] =	sbarrier.arrive $0xFFFF  }
0x123: {  	s15 =	simm.s32 @!p0 $0x1;
	s16 =	simm.s32 @!p0 $0x0;
	s17 =	rddreg [dreg:$0xf]  }
0x124: {  	[tilespmem:s18], [sflag:$0x1] =	stream.linear.gather @!p0 [hbm4b:s17+s16], $0x800, $0x38;
	[tilespmem:$0x13000] =	vst v63  }
0x125: {  	_ =	swait.ge @!p0 [sflag:s15], $0x800  }
0x126: {  	s14 =	sadd.s32 s12, s14;
	s17 =	simm.s32 @!p0 $0x10800;
	[sflag:s15] =	ssyncset.done @!p0 $0x0  }
0x127: {  	s17 =	simm.s32 @p0 $0x10000;
	s19 =	rddreg [dreg:$0x7];
	[sflag:s15] =	ssyncadd.s32 @!p0 $0xFFFFF800  }
0x128: {  	[tilespmem:s17], [sflag:$0x1] =	stream.linear.gather [hbm4b:s14+s3], $0x800, $0x38;
	[tilespmem:$0x13000] =	vst v63  }
0x129: {  	s12 =	rddreg [dreg:$0x6];
	_ =	swait.ge [sflag:s4], $0x800  }
0x12a: {  	[sflag:s4] =	ssyncset.done $0x0  }
0x12b: {  	[sflag:s4] =	ssyncadd.s32 $0xFFFFF800  }
0x12c: {  	[spmem:s2] =	stream.indirect.scatter.add.f32 [tilespmem:s8], [sflag:$0x1], $0x1, s6, s7, $0xb8;
	[tilespmem:$0x13000] =	vst v63  }
0x12d: {  	_ =	swait.ge [sflag:s4], $0x800  }
0x12e: {  	s28 =	sshrl.u32 s9, $0x3;
	[sflag:s4] =	ssyncset.done $0x0  }
0x12f: {  	s29 =	sshll.u32 s1, $0x6;
	s12 =	smov.u32 @p0 s19;
	[sflag:s4] =	ssyncadd.s32 $0xFFFFF800  }
0x130: {  	s13 =	sadd.s32 s12, s13;
	s14 =	sor.u32 $0x1C01, s29;
	[bflag:$0x0] =	sbarrier.arrive $0xFFFF  }
0x131: {  	[hbm:s13], [sflag:s14] =	dma.local [spmem:s28], $0x2000  }
0x132: {  	_ =	swait.ge [sflag:s4], $0x2000  }
0x133: {  	[sflag:s4] =	ssyncset.done $0x0  }
0x134: {  	[sflag:s4] =	ssyncadd.s32 $0xFFFFE000  }
0x135: {  	[bflag:$0x0] =	sbarrier.arrive $0xFFFF  }
0x136: {  	[spmem:s2] =	stream.indirect.scatter [tilespmem:s10], [sflag:$0x1], $0x1, s6, s7, $0xb8;
	[tilespmem:$0x13000] =	vst v63  }
0x137: {  	_ =	swait.ge [sflag:s4], $0x800  }
0x138: {  	[sflag:s4] =	ssyncset.done $0x0  }
0x139: {  	[sflag:s4] =	ssyncadd.s32 $0xFFFFF800  }
0x13a: {  	[bflag:$0x0] =	sbarrier.arrive $0xFFFF  }
0x13b: {  	s13 =	rddreg [dreg:$0x10]  }
0x13c: {  	[tilespmem:s18], [sflag:$0x1] =	stream.linear.gather @!p0 [hbm4b:s13+s16], $0x800, $0x38;
	[tilespmem:$0x13000] =	vst v63  }
0x13d: {  	_ =	swait.ge @!p0 [sflag:s15], $0x800  }
0x13e: {  	[sflag:s15] =	ssyncset.done @!p0 $0x0  }
0x13f: {  	[sflag:s15] =	ssyncadd.s32 @!p0 $0xFFFFF800  }
0x140: {  	[tilespmem:s17], [sflag:$0x1] =	stream.linear.gather [hbm4b:s11+s3], $0x800, $0x38;
	[tilespmem:$0x13000] =	vst v63  }
0x141: {  	_ =	swait.ge [sflag:s4], $0x800  }
0x142: {  	[sflag:s4] =	ssyncset.done $0x0  }
0x143: {  	[sflag:s4] =	ssyncadd.s32 $0xFFFFF800  }
0x144: {  	[spmem:s2] =	stream.indirect.scatter.add.f32 [tilespmem:s8], [sflag:$0x1], $0x1, s6, s7, $0xb8;
	[tilespmem:$0x13000] =	vst v63  }
0x145: {  	_ =	swait.ge [sflag:s4], $0x800  }
0x146: {  	[sflag:s4] =	ssyncset.done $0x0  }
0x147: {  	[sflag:s4] =	ssyncadd.s32 $0xFFFFF800  }
0x148: {  	[bflag:$0x0] =	sbarrier.arrive $0xFFFF  }
0x149: {  	s30 =	rddreg [dreg:$0x12]  }
0x14a: {  	s11 =	sadd.s32 s30, s12  }
0x14b: {  	[hbm:s11], [sflag:s14] =	dma.local [spmem:s28], $0x2000  }
0x14c: {  	_ =	swait.ge [sflag:s4], $0x2000  }
0x14d: {  	[sflag:s4] =	ssyncset.done $0x0  }
0x14e: {  	[sflag:s4] =	ssyncadd.s32 $0xFFFFE000  }
0x14f: {  	[bflag:$0x0] =	sbarrier.arrive $0xFFFF  }
0x150: {  	[spmem:s2] =	stream.indirect.scatter [tilespmem:s10], [sflag:$0x1], $0x1, s6, s7, $0xb8;
	[tilespmem:$0x13000] =	vst v63  }
0x151: {  	_ =	swait.ge [sflag:s4], $0x800  }
0x152: {  	[sflag:s4] =	ssyncset.done $0x0  }
0x153: {  	[sflag:s4] =	ssyncadd.s32 $0xFFFFF800  }
0x154: {  	[bflag:$0x0] =	sbarrier.arrive $0xFFFF  }
0x155: {  	s10 =	rddreg [dreg:$0x11]  }
0x156: {  	[tilespmem:s18], [sflag:$0x1] =	stream.linear.gather @!p0 [hbm4b:s10+s16], $0x800, $0x38;
	[tilespmem:$0x13000] =	vst v63  }
0x157: {  	_ =	swait.ge @!p0 [sflag:s15], $0x800  }
0x158: {  	[sflag:s15] =	ssyncset.done @!p0 $0x0  }
0x159: {  	[sflag:s15] =	ssyncadd.s32 @!p0 $0xFFFFF800  }
0x15a: {  	[tilespmem:s17], [sflag:$0x1] =	stream.linear.gather [hbm4b:s5+s3], $0x800, $0x38;
	[tilespmem:$0x13000] =	vst v63  }
0x15b: {  	_ =	swait.ge [sflag:s4], $0x800  }
0x15c: {  	[sflag:s4] =	ssyncset.done $0x0  }
0x15d: {  	[sflag:s4] =	ssyncadd.s32 $0xFFFFF800  }
0x15e: {  	[spmem:s2] =	stream.indirect.scatter.add.f32 [tilespmem:s8], [sflag:$0x1], $0x1, s6, s7, $0xb8;
	[tilespmem:$0x13000] =	vst v63  }
0x15f: {  	_ =	swait.ge [sflag:s4], $0x800  }
0x160: {  	[sflag:s4] =	ssyncset.done $0x0  }
0x161: {  	[sflag:s4] =	ssyncadd.s32 $0xFFFFF800  }
0x162: {  	[bflag:$0x0] =	sbarrier.arrive $0xFFFF  }
0x163: {  	s31 =	rddreg [dreg:$0x13]  }
0x164: {  	s2 =	sadd.s32 s31, s12  }
0x165: {  	[hbm:s2], [sflag:s14] =	dma.local [spmem:s28], $0x2000  }
0x166: {  	_ =	swait.ge [sflag:s4], $0x2000  }
0x167: {  	[sflag:s4] =	ssyncset.done $0x0  }
0x168: {  	[sflag:s4] =	ssyncadd.s32 $0xFFFFE000  }
0x169: {  	_ =	sfence.sel $0x180000  }
0x16a: {  	[bflag:$0x0] =	sbarrier.arrive $0xFFFF  }
0x16b: {  	p0 =	sne.s32 s1, $0x0;
	_ =	strace $0x90000047  }
0x16c: {  	s0 =	sadd.s32 @!p0 $0x100000, s0;
	[bflag:$0x2] =	sbarrier.arrive $0xFFFF  }
0x16d: {  	[sflag:s0] =	ssyncadd.tile.s32 @!p0 $0x1;
	_ =	shalt  }
.Lfunc_end2:
_tile_overlayer_lowered:
.L_overlay_start_2:
0x16e: {  	(tag) =	ssettag $0x2  }
0x16f: {  	s0 =	rddreg [dreg:$0x0];
	s2 =	stileid.u32  }
0x170: {  	s1 =	rddreg [dreg:$0x1];
	p0 =	sne.s32 s2, $0x0  }
0x171: {  	s3 =	rddreg [dreg:$0x2];
	[bflag:$0x3] =	sbarrier.arrive $0xFFFF;
	s2 =	simm.s32 @!p0 $0x1C01  }
0x172: {  	[timem:s3], [sflag:s2] =	dma.local @!p0 [hbm:s0], s1  }
0x173: {  	s0 =	simm.s32 @!p0 $0x1  }
0x174: {  	_ =	swait.ge @!p0 [sflag:s0], s1  }
0x175: {  	s1 =	ssub.s32 @!p0 $0x0, s1;
	[sflag:s0] =	ssyncset.done @!p0 $0x0  }
0x176: {  	[sflag:s0] =	ssyncadd.s32 @!p0 s1  }
0x177: {  	[bflag:$0x3] =	sbarrier.arrive $0xFFFF  }
0x178: {  	_ =	shalt  }

</sc_bundles>
